<compile_context>
chip_gen: v7x
topology: tpu7x:2x2x1
jax: 0.10.2.dev20260603
libtpu: 0.0.44.dev20260713+nightly
codegen_flags: <defaults>
</compile_context>

<pallas_src>
import functools

import jax
import jax.numpy as jnp
from jax import lax
from jax.experimental import pallas as pl
from jax.experimental.pallas import tpu as pltpu
from jax.experimental.pallas import tpu_sc as plsc

N = 10000
E = 320000
C = 64
NP = 10240
K = 128
NCHUNK = E // K
NCORES = 2
NSUB = 16
NW = NCORES * NSUB
CPW = (NCHUNK + NW - 1) // NW
RPS = NP // NSUB
DC = 16


def _sc_mesh():
    return plsc.VectorSubcoreMesh(
        core_axis_name="c", subcore_axis_name="s",
        num_cores=NCORES, num_subcores=NSUB)


def _sc_degree(dst, zeros16):
    @functools.partial(
        pl.kernel,
        out_type=jax.ShapeDtypeStruct((NCORES, NP, DC), jnp.float32),
        mesh=_sc_mesh(),
        scratch_types=[
            pltpu.VMEM((K,), jnp.int32),
            pltpu.VMEM((K, DC), jnp.float32),
            pltpu.VMEM_SHARED((NP, DC), jnp.float32),
        ],
        compiler_params=pltpu.CompilerParams(use_tc_tiling_on_sc=False),
    )
    def deg_kernel(dst_hbm, zeros_hbm, out_hbm, didx, ones, acc):
        cid = lax.axis_index("c")
        sid = lax.axis_index("s")
        wid = sid * NCORES + cid
        r0 = sid * RPS

        @pl.loop(0, K)
        def _(i):
            ones[i, :] = jnp.full((DC,), 1.0, jnp.float32)

        pltpu.sync_copy(zeros_hbm.at[pl.ds(r0, RPS)], acc.at[pl.ds(r0, RPS)])
        plsc.subcore_barrier()

        @pl.loop(0, CPW)
        def _(j):
            cix = wid + NW * j

            @pl.when(cix < NCHUNK)
            def _():
                off = pl.multiple_of(cix * K, K)
                pltpu.sync_copy(dst_hbm.at[pl.ds(off, K)], didx)
                pltpu.sync_copy(ones, acc.at[didx], add=True)

        plsc.subcore_barrier()
        pltpu.sync_copy(acc.at[pl.ds(r0, RPS)], out_hbm.at[cid, pl.ds(r0, RPS)])

    return deg_kernel(dst, zeros16)


def _sc_propagate(hp, src, dst, zeros64):
    @functools.partial(
        pl.kernel,
        out_type=jax.ShapeDtypeStruct((NCORES, NP, C), jnp.float32),
        mesh=_sc_mesh(),
        scratch_types=[
            pltpu.VMEM((K,), jnp.int32),
            pltpu.VMEM((K,), jnp.int32),
            pltpu.VMEM((K, C), jnp.float32),
            pltpu.VMEM_SHARED((NP, C), jnp.float32),
        ],
        compiler_params=pltpu.CompilerParams(use_tc_tiling_on_sc=False),
    )
    def prop_kernel(hp_hbm, src_hbm, dst_hbm, zeros_hbm, out_hbm,
                    sidx, didx, rows, acc):
        cid = lax.axis_index("c")
        sid = lax.axis_index("s")
        wid = sid * NCORES + cid
        r0 = sid * RPS

        pltpu.sync_copy(zeros_hbm.at[pl.ds(r0, RPS)], acc.at[pl.ds(r0, RPS)])
        plsc.subcore_barrier()

        @pl.loop(0, CPW)
        def _(j):
            cix = wid + NW * j

            @pl.when(cix < NCHUNK)
            def _():
                off = pl.multiple_of(cix * K, K)
                pltpu.sync_copy(src_hbm.at[pl.ds(off, K)], sidx)
                pltpu.sync_copy(dst_hbm.at[pl.ds(off, K)], didx)
                pltpu.sync_copy(hp_hbm.at[sidx], rows)
                pltpu.sync_copy(rows, acc.at[didx], add=True)

        plsc.subcore_barrier()
        pltpu.sync_copy(acc.at[pl.ds(r0, RPS)], out_hbm.at[cid, pl.ds(r0, RPS)])

    return prop_kernel(hp, src, dst, zeros64)



def _stage_a_body(x_ref, w1_ref, d0_ref, d1_ref, hp_ref, dinv_ref):
    deg = 1.0 + d0_ref[...] + d1_ref[...]
    dinv = lax.rsqrt(deg)
    h = jnp.dot(x_ref[...], w1_ref[...], preferred_element_type=jnp.float32)
    hp_ref[...] = h * dinv
    dinv_ref[...] = dinv


def _tc_stage_a(x, W1, d0, d1):
    return pl.pallas_call(
        _stage_a_body,
        out_shape=(jax.ShapeDtypeStruct((N, C), jnp.float32),
                   jax.ShapeDtypeStruct((N, 1), jnp.float32)),
    )(x, W1, d0, d1)


def _stage_b_body(hp1_ref, p0_ref, p1_ref, dinv_ref, w2_ref, b1_ref, hp2_ref):
    acc = hp1_ref[...] + p0_ref[...] + p1_ref[...]
    y1 = jnp.maximum(acc * dinv_ref[...] + b1_ref[...], 0.0)
    h2 = jnp.dot(y1, w2_ref[...], preferred_element_type=jnp.float32)
    hp2_ref[...] = h2 * dinv_ref[...]


def _tc_stage_b(hp1, p0, p1, dinv, W2, b1):
    return pl.pallas_call(
        _stage_b_body,
        out_shape=jax.ShapeDtypeStruct((N, C), jnp.float32),
    )(hp1, p0, p1, dinv, W2, b1)


def _stage_c_body(hp2_ref, q0_ref, q1_ref, dinv_ref, b2_ref, batch_ref,
                  fp_ref, lw1a_ref, lw1b_ref, lb1_ref, lw2_ref, lb2_ref,
                  out_ref):
    x1 = (hp2_ref[...] + q0_ref[...] + q1_ref[...]) * dinv_ref[...] + b2_ref[...]
    gids = lax.broadcasted_iota(jnp.int32, (256, N), 0)
    P = (batch_ref[...] == gids).astype(jnp.float32)
    sums = jnp.dot(P, x1, preferred_element_type=jnp.float32)
    cnt = jnp.sum(P, axis=1, keepdims=True)
    pooled = sums / jnp.maximum(cnt, 1.0)
    z1 = (jnp.dot(pooled, lw1a_ref[...], preferred_element_type=jnp.float32)
          + jnp.dot(fp_ref[...], lw1b_ref[...], preferred_element_type=jnp.float32)
          + lb1_ref[...])
    z1 = jnp.maximum(z1, 0.0)
    out_ref[...] = (jnp.dot(z1, lw2_ref[...], preferred_element_type=jnp.float32)
                    + lb2_ref[...])


def _tc_stage_c(hp2, q0, q1, dinv, b2, batch, fp, lw1a, lw1b, lb1, lw2, lb2):
    return pl.pallas_call(
        _stage_c_body,
        out_shape=jax.ShapeDtypeStruct((256, 2), jnp.float32),
    )(hp2, q0, q1, dinv, b2, batch, fp, lw1a, lw1b, lb1, lw2, lb2)


def kernel(x, edge_index, edge_attr, batch_index, mol_fingerprints,
           W1, b1, W2, b2, LW1, LB1, LW2, LB2):
    del edge_attr
    src = edge_index[0]
    dst = edge_index[1]
    zeros64 = jnp.zeros((NP, C), jnp.float32)
    zeros16 = jnp.zeros((NP, DC), jnp.float32)

    degp = _sc_degree(dst, zeros16)
    d0 = degp[0, :N, 0:1]
    d1 = degp[1, :N, 0:1]

    hp1, dinv = _tc_stage_a(x, W1, d0, d1)
    p = _sc_propagate(hp1, src, dst, zeros64)
    hp2 = _tc_stage_b(hp1, p[0, :N], p[1, :N], dinv, W2, b1.reshape(1, C))
    q = _sc_propagate(hp2, src, dst, zeros64)

    out = _tc_stage_c(
        hp2, q[0, :N], q[1, :N], dinv, b2.reshape(1, C),
        batch_index.reshape(1, N), mol_fingerprints,
        LW1[:C], LW1[C:], LB1.reshape(1, -1), LW2, LB2.reshape(1, -1))
    return out

# --- scband reference (transcript-rebuilt; emitter-appended) ---
"""Pipeline reference for scband-ptgcn-2757369004686 (READ-ONLY COPY).

The authoritative reference and input builder live on the scoring server;
editing this copy changes nothing except your own understanding.
"""

import jax, jax.numpy as jnp
import numpy as np

N_NODES = 10000
N_EDGES = 320000
N_GRAPHS = 256
IN_CH = 131
OUT_CH = 64
FP_DIM = 2065
HID = 128
N_CLS = 2


def setup_inputs(seed: int = 0) -> dict:
    key = jax.random.key(seed)
    ks = jax.random.split(key, 13)
    x = jax.random.normal(ks[0], (N_NODES, IN_CH), dtype=jnp.float32)
    edge_index = jax.random.randint(ks[1], (2, N_EDGES), 0, N_NODES, dtype=jnp.int32)
    edge_attr = jax.random.normal(ks[2], (N_EDGES, 4), dtype=jnp.float32)
    batch_index = jnp.sort(jax.random.randint(ks[3], (N_NODES,), 0, N_GRAPHS, dtype=jnp.int32))
    mol_fingerprints = jax.random.uniform(ks[4], (N_GRAPHS, FP_DIM), dtype=jnp.float32)
    # learned parameters
    W1 = jax.random.normal(ks[5], (IN_CH, OUT_CH), dtype=jnp.float32) * (1.0 / np.sqrt(IN_CH))
    b1 = jnp.zeros((OUT_CH,), dtype=jnp.float32)
    W2 = jax.random.normal(ks[6], (OUT_CH, OUT_CH), dtype=jnp.float32) * (1.0 / np.sqrt(OUT_CH))
    b2 = jnp.zeros((OUT_CH,), dtype=jnp.float32)
    LW1 = jax.random.normal(ks[7], (OUT_CH + FP_DIM, HID), dtype=jnp.float32) * (1.0 / np.sqrt(OUT_CH + FP_DIM))
    LB1 = jnp.zeros((HID,), dtype=jnp.float32)
    LW2 = jax.random.normal(ks[8], (HID, N_CLS), dtype=jnp.float32) * (1.0 / np.sqrt(HID))
    LB2 = jnp.zeros((N_CLS,), dtype=jnp.float32)
    return {"x": x, "edge_index": edge_index, "edge_attr": edge_attr,
            "batch_index": batch_index, "mol_fingerprints": mol_fingerprints,
            "W1": W1, "b1": b1, "W2": W2, "b2": b2,
            "LW1": LW1, "LB1": LB1, "LW2": LW2, "LB2": LB2}


def _gcn_conv(x, edge_index, W, b):
    # PyG GCNConv: x' = D^{-1/2} (A + I) D^{-1/2} X W + b, degrees on A + I
    n = x.shape[0]
    sl = jnp.arange(n, dtype=edge_index.dtype)
    src = jnp.concatenate([edge_index[0], sl])
    dst = jnp.concatenate([edge_index[1], sl])
    deg = jnp.zeros((n,), dtype=x.dtype).at[dst].add(1.0)
    deg_inv_sqrt = jnp.where(deg > 0, 1.0 / jnp.sqrt(jnp.maximum(deg, 1e-12)), 0.0)
    norm = deg_inv_sqrt[src] * deg_inv_sqrt[dst]
    h = x @ W
    msg = h[src] * norm[:, None]
    out = jnp.zeros((n, h.shape[1]), dtype=x.dtype).at[dst].add(msg)
    return out + b


def reference(x, edge_index, edge_attr, batch_index, mol_fingerprints,
              W1, b1, W2, b2, LW1, LB1, LW2, LB2):
    del edge_attr  # destructured in original forward but unused by the math
    x1 = jax.nn.relu(_gcn_conv(x, edge_index, W1, b1))
    x1 = _gcn_conv(x1, edge_index, W2, b2)
    # global mean pool (gap) over batch_index
    sums = jax.ops.segment_sum(x1, batch_index, num_segments=N_GRAPHS)
    cnt = jax.ops.segment_sum(jnp.ones((x1.shape[0], 1), dtype=x1.dtype), batch_index, num_segments=N_GRAPHS)
    pooled = sums / jnp.maximum(cnt, 1.0)
    z = jnp.concatenate([pooled, mol_fingerprints.reshape(N_GRAPHS, FP_DIM)], axis=1)
    z = jax.nn.relu(z @ LW1 + LB1)
    # dropout is identity in eval mode
    out = z @ LW2 + LB2
    return out

if __name__ == "__main__":
    import jax
    _d = setup_inputs()
    print(jax.jit(kernel)(*tuple(_d.values())))

</pallas_src>

<mosaic_0001>
#map = affine_map<(d0, d1) -> (0, 0)>
#map1 = affine_map<(d0, d1) -> (0)>
#map2 = affine_map<(d0, d1) -> (0, 0, 0)>
module attributes {stable_mosaic.version = 14 : i64} {
  func.func @prop_kernel(%arg0: i32, %arg1: i32, %arg2: memref<10000x64xf32, #tpu.memory_space<hbm>>, %arg3: memref<320000xi32, #tpu.memory_space<hbm>>, %arg4: memref<320000xi32, #tpu.memory_space<hbm>>, %arg5: memref<10240x64xf32, #tpu.memory_space<hbm>>, %arg6: memref<2x10240x64xf32, #tpu.memory_space<hbm>>, %arg7: memref<128xi32, #tpu.memory_space<vmem>>, %arg8: memref<128xi32, #tpu.memory_space<vmem>>, %arg9: memref<128x64xf32, #tpu.memory_space<vmem>>, %arg10: memref<10240x64xf32, #tpu.memory_space<vmem_shared>>) attributes {dimension_semantics = [#tpu.dimension_semantics<core_parallel>, #tpu.dimension_semantics<subcore_parallel>], iteration_bounds = array<i64: 2, 16>, scalar_prefetch = 0 : i64, scratch_operands = 4 : i64, tpu.core_type = #tpu.core_type<sc_vector_subcore>, window_params = [{transform_indices = #map}, {transform_indices = #map1}, {transform_indices = #map1}, {transform_indices = #map}, {transform_indices = #map2}]} {
    %mul3A = arith.constant 2 : i32
    %mul3A_0 = arith.muli %arg1, %mul3A : i32
    %add3A = arith.addi %mul3A_0, %arg0 : i32
    %mul3A_1 = arith.constant 640 : i32
    %mul3A_2 = arith.muli %arg1, %mul3A_1 : i32
    "tpu.region"() ({
      %run_scoped3A = tpu.sem_alloc : memref<!tpu.dma_semaphore, #tpu.memory_space<semaphore_mem>>
      %dma_start3A = arith.constant 0 : i32
      %dma_start3A_8 = tpu.memref_slice %arg10[%mul3A_2, %dma_start3A] : memref<10240x64xf32, #tpu.memory_space<vmem_shared>> -> memref<640x64xf32, #tpu.memory_space<vmem_shared>>
      %dma_start3A_9 = arith.constant 0 : i32
      %dma_start3A_10 = tpu.memref_slice %arg5[%mul3A_2, %dma_start3A_9] : memref<10240x64xf32, #tpu.memory_space<hbm>> -> memref<640x64xf32, #tpu.memory_space<hbm>>
      tpu.enqueue_dma source(%dma_start3A_10 : memref<640x64xf32, #tpu.memory_space<hbm>>) target(%dma_start3A_8 : memref<640x64xf32, #tpu.memory_space<vmem_shared>>) target_semaphore(%run_scoped3A : memref<!tpu.dma_semaphore, #tpu.memory_space<semaphore_mem>>)
      %dma_wait3A = arith.constant 0 : i32
      %dma_wait3A_11 = tpu.memref_slice %arg10[%mul3A_2, %dma_wait3A] : memref<10240x64xf32, #tpu.memory_space<vmem_shared>> -> memref<640x64xf32, #tpu.memory_space<vmem_shared>>
      %dma_wait3A_12 = arith.constant 0 : i32
      %dma_wait3A_13 = tpu.memref_slice %arg5[%mul3A_2, %dma_wait3A_12] : memref<10240x64xf32, #tpu.memory_space<hbm>> -> memref<640x64xf32, #tpu.memory_space<hbm>>
      tpu.wait_dma2 semaphore(%run_scoped3A : memref<!tpu.dma_semaphore, #tpu.memory_space<semaphore_mem>>) src(%dma_wait3A_13 : memref<640x64xf32, #tpu.memory_space<hbm>>) dst(%dma_wait3A_11 : memref<640x64xf32, #tpu.memory_space<vmem_shared>>)
      tpu.yield
    }) : () -> ()
    %barrier3A = arith.constant 0 : index
    tpu.barrier barrier_id(%barrier3A)
    %scan3A = arith.constant 0 : i32
    %scan3A_3 = arith.constant 79 : i32
    %scan3A_4 = arith.addi %scan3A, %scan3A_3 : i32
    %scan3A_5 = arith.constant 1 : i32
    scf.for %scan3A_8 = %scan3A to %scan3A_4 step %scan3A_5  : i32 {
      %mul3A_9 = arith.constant 1 : i32
      %mul3A_10 = arith.muli %scan3A_8, %mul3A_9 : i32
      %add3A_11 = arith.constant 0 : i32
      %add3A_12 = arith.addi %add3A_11, %mul3A_10 : i32
      %mul3A_13 = arith.constant 32 : i32
      %mul3A_14 = arith.muli %mul3A_13, %add3A_12 : i32
      %add3A_15 = arith.addi %add3A, %mul3A_14 : i32
      %lt3A = arith.constant 2500 : i32
      %lt3A_16 = arith.cmpi slt, %add3A_15, %lt3A : i32
      %convert_element_type3A = arith.extui %lt3A_16 : i1 to i32
      %cond3A = arith.constant 0 : i32
      %cond3A_17 = arith.cmpi ne, %convert_element_type3A, %cond3A : i32
      scf.if %cond3A_17 {
        %mul3A_18 = arith.constant 128 : i32
        %mul3A_19 = arith.muli %add3A_15, %mul3A_18 : i32
        %multiple_of3A = tpu.assume_multiple %mul3A_19, 128 : i32
        "tpu.region"() ({
          %run_scoped3A = tpu.sem_alloc : memref<!tpu.dma_semaphore, #tpu.memory_space<semaphore_mem>>
          %dma_start3A = tpu.memref_slice %arg3[%multiple_of3A] : memref<320000xi32, #tpu.memory_space<hbm>> -> memref<128xi32, #tpu.memory_space<hbm>>
          %dma_start3A_20 = tpu.memref_slice %arg3[%multiple_of3A] : memref<320000xi32, #tpu.memory_space<hbm>> -> memref<128xi32, #tpu.memory_space<hbm>>
          tpu.enqueue_dma source(%dma_start3A_20 : memref<128xi32, #tpu.memory_space<hbm>>) target(%arg7 : memref<128xi32, #tpu.memory_space<vmem>>) target_semaphore(%run_scoped3A : memref<!tpu.dma_semaphore, #tpu.memory_space<semaphore_mem>>)
          %dma_wait3A = tpu.memref_slice %arg3[%multiple_of3A] : memref<320000xi32, #tpu.memory_space<hbm>> -> memref<128xi32, #tpu.memory_space<hbm>>
          %dma_wait3A_21 = tpu.memref_slice %arg3[%multiple_of3A] : memref<320000xi32, #tpu.memory_space<hbm>> -> memref<128xi32, #tpu.memory_space<hbm>>
          tpu.wait_dma2 semaphore(%run_scoped3A : memref<!tpu.dma_semaphore, #tpu.memory_space<semaphore_mem>>) src(%dma_wait3A_21 : memref<128xi32, #tpu.memory_space<hbm>>) dst(%arg7 : memref<128xi32, #tpu.memory_space<vmem>>)
          tpu.yield
        }) : () -> ()
        "tpu.region"() ({
          %run_scoped3A = tpu.sem_alloc : memref<!tpu.dma_semaphore, #tpu.memory_space<semaphore_mem>>
          %dma_start3A = tpu.memref_slice %arg4[%multiple_of3A] : memref<320000xi32, #tpu.memory_space<hbm>> -> memref<128xi32, #tpu.memory_space<hbm>>
          %dma_start3A_20 = tpu.memref_slice %arg4[%multiple_of3A] : memref<320000xi32, #tpu.memory_space<hbm>> -> memref<128xi32, #tpu.memory_space<hbm>>
          tpu.enqueue_dma source(%dma_start3A_20 : memref<128xi32, #tpu.memory_space<hbm>>) target(%arg8 : memref<128xi32, #tpu.memory_space<vmem>>) target_semaphore(%run_scoped3A : memref<!tpu.dma_semaphore, #tpu.memory_space<semaphore_mem>>)
          %dma_wait3A = tpu.memref_slice %arg4[%multiple_of3A] : memref<320000xi32, #tpu.memory_space<hbm>> -> memref<128xi32, #tpu.memory_space<hbm>>
          %dma_wait3A_21 = tpu.memref_slice %arg4[%multiple_of3A] : memref<320000xi32, #tpu.memory_space<hbm>> -> memref<128xi32, #tpu.memory_space<hbm>>
          tpu.wait_dma2 semaphore(%run_scoped3A : memref<!tpu.dma_semaphore, #tpu.memory_space<semaphore_mem>>) src(%dma_wait3A_21 : memref<128xi32, #tpu.memory_space<hbm>>) dst(%arg8 : memref<128xi32, #tpu.memory_space<vmem>>)
          tpu.yield
        }) : () -> ()
        "tpu.region"() ({
          %run_scoped3A = tpu.sem_alloc : memref<!tpu.dma_semaphore, #tpu.memory_space<semaphore_mem>>
          %dma_start3A = arith.constant 0 : i32
          %dma_start3A_20 = arith.constant 0 : i32
          %dma_start3A_21 = tpu.memref_slice %arg2[%dma_start3A, %dma_start3A_20] : memref<10000x64xf32, #tpu.memory_space<hbm>> -> memref<10000x64xf32, #tpu.memory_space<hbm>>
          tpu.enqueue_indirect_dma source(%dma_start3A_21 : memref<10000x64xf32, #tpu.memory_space<hbm>>) target(%arg9 : memref<128x64xf32, #tpu.memory_space<vmem>>) offsets(%arg7 : memref<128xi32, #tpu.memory_space<vmem>>) semaphore(%run_scoped3A : memref<!tpu.dma_semaphore, #tpu.memory_space<semaphore_mem>>)
          %dma_wait3A = arith.constant 0 : i32
          %dma_wait3A_22 = arith.constant 0 : i32
          %dma_wait3A_23 = tpu.memref_slice %arg2[%dma_wait3A, %dma_wait3A_22] : memref<10000x64xf32, #tpu.memory_space<hbm>> -> memref<10000x64xf32, #tpu.memory_space<hbm>>
          tpu.wait_indirect_dma semaphore(%run_scoped3A : memref<!tpu.dma_semaphore, #tpu.memory_space<semaphore_mem>>) src(%dma_wait3A_23 : memref<10000x64xf32, #tpu.memory_space<hbm>>) dst(%arg9 : memref<128x64xf32, #tpu.memory_space<vmem>>)
          tpu.yield
        }) : () -> ()
        "tpu.region"() ({
          %run_scoped3A = tpu.sem_alloc : memref<!tpu.dma_semaphore, #tpu.memory_space<semaphore_mem>>
          %dma_start3A = arith.constant 0 : i32
          %dma_start3A_20 = arith.constant 0 : i32
          %dma_start3A_21 = tpu.memref_slice %arg10[%dma_start3A, %dma_start3A_20] : memref<10240x64xf32, #tpu.memory_space<vmem_shared>> -> memref<10240x64xf32, #tpu.memory_space<vmem_shared>>
          tpu.enqueue_indirect_dma source(%arg9 : memref<128x64xf32, #tpu.memory_space<vmem>>) target(%dma_start3A_21 : memref<10240x64xf32, #tpu.memory_space<vmem_shared>>) offsets(%arg8 : memref<128xi32, #tpu.memory_space<vmem>>) semaphore(%run_scoped3A : memref<!tpu.dma_semaphore, #tpu.memory_space<semaphore_mem>>) {add = true}
          %dma_wait3A = arith.constant 0 : i32
          %dma_wait3A_22 = arith.constant 0 : i32
          %dma_wait3A_23 = tpu.memref_slice %arg10[%dma_wait3A, %dma_wait3A_22] : memref<10240x64xf32, #tpu.memory_space<vmem_shared>> -> memref<10240x64xf32, #tpu.memory_space<vmem_shared>>
          tpu.wait_indirect_dma semaphore(%run_scoped3A : memref<!tpu.dma_semaphore, #tpu.memory_space<semaphore_mem>>) src(%arg9 : memref<128x64xf32, #tpu.memory_space<vmem>>) dst(%dma_wait3A_23 : memref<10240x64xf32, #tpu.memory_space<vmem_shared>>)
          tpu.yield
        }) : () -> ()
      } else {
      }
    }
    %scan3A_6 = arith.constant 79 : i32
    %barrier3A_7 = arith.constant 0 : index
    tpu.barrier barrier_id(%barrier3A_7)
    "tpu.region"() ({
      %run_scoped3A = tpu.sem_alloc : memref<!tpu.dma_semaphore, #tpu.memory_space<semaphore_mem>>
      %dma_start3A = arith.constant 0 : i32
      %dma_start3A_8 = tpu.memref_slice %arg6[%arg0, %mul3A_2, %dma_start3A] : memref<2x10240x64xf32, #tpu.memory_space<hbm>> -> memref<1x640x64xf32, #tpu.memory_space<hbm>>
      %dma_start3A_9 = tpu.memref_squeeze %dma_start3A_8 : memref<1x640x64xf32, #tpu.memory_space<hbm>> -> memref<640x64xf32, #tpu.memory_space<hbm>>
      %dma_start3A_10 = arith.constant 0 : i32
      %dma_start3A_11 = tpu.memref_slice %arg10[%mul3A_2, %dma_start3A_10] : memref<10240x64xf32, #tpu.memory_space<vmem_shared>> -> memref<640x64xf32, #tpu.memory_space<vmem_shared>>
      tpu.enqueue_dma source(%dma_start3A_11 : memref<640x64xf32, #tpu.memory_space<vmem_shared>>) target(%dma_start3A_9 : memref<640x64xf32, #tpu.memory_space<hbm>>) target_semaphore(%run_scoped3A : memref<!tpu.dma_semaphore, #tpu.memory_space<semaphore_mem>>)
      %dma_wait3A = arith.constant 0 : i32
      %dma_wait3A_12 = tpu.memref_slice %arg6[%arg0, %mul3A_2, %dma_wait3A] : memref<2x10240x64xf32, #tpu.memory_space<hbm>> -> memref<1x640x64xf32, #tpu.memory_space<hbm>>
      %dma_wait3A_13 = tpu.memref_squeeze %dma_wait3A_12 : memref<1x640x64xf32, #tpu.memory_space<hbm>> -> memref<640x64xf32, #tpu.memory_space<hbm>>
      %dma_wait3A_14 = arith.constant 0 : i32
      %dma_wait3A_15 = tpu.memref_slice %arg10[%mul3A_2, %dma_wait3A_14] : memref<10240x64xf32, #tpu.memory_space<vmem_shared>> -> memref<640x64xf32, #tpu.memory_space<vmem_shared>>
      tpu.wait_dma2 semaphore(%run_scoped3A : memref<!tpu.dma_semaphore, #tpu.memory_space<semaphore_mem>>) src(%dma_wait3A_15 : memref<640x64xf32, #tpu.memory_space<vmem_shared>>) dst(%dma_wait3A_13 : memref<640x64xf32, #tpu.memory_space<hbm>>)
      tpu.yield
    }) : () -> ()
    return
  }
}

#map = affine_map<(d0, d1) -> (0, 0)>
#map1 = affine_map<(d0, d1) -> (0)>
#map2 = affine_map<(d0, d1) -> (0, 0, 0)>
module attributes {stable_mosaic.version = 14 : i64} {
  func.func @prop_kernel(%arg0: i32, %arg1: i32, %arg2: memref<10000x64xf32, #tpu.memory_space<hbm>>, %arg3: memref<320000xi32, #tpu.memory_space<hbm>>, %arg4: memref<320000xi32, #tpu.memory_space<hbm>>, %arg5: memref<10240x64xf32, #tpu.memory_space<hbm>>, %arg6: memref<2x10240x64xf32, #tpu.memory_space<hbm>>, %arg7: memref<128xi32, #tpu.memory_space<vmem>>, %arg8: memref<128xi32, #tpu.memory_space<vmem>>, %arg9: memref<128x64xf32, #tpu.memory_space<vmem>>, %arg10: memref<10240x64xf32, #tpu.memory_space<vmem_shared>>) attributes {dimension_semantics = [#tpu.dimension_semantics<core_parallel>, #tpu.dimension_semantics<subcore_parallel>], iteration_bounds = array<i64: 2, 16>, scalar_prefetch = 0 : i64, scratch_operands = 4 : i64, tpu.core_type = #tpu.core_type<sc_vector_subcore>, window_params = [{transform_indices = #map}, {transform_indices = #map1}, {transform_indices = #map1}, {transform_indices = #map}, {transform_indices = #map2}]} {
    %mul3A = arith.constant 2 : i32
    %mul3A_0 = arith.muli %arg1, %mul3A : i32
    %add3A = arith.addi %mul3A_0, %arg0 : i32
    %mul3A_1 = arith.constant 640 : i32
    %mul3A_2 = arith.muli %arg1, %mul3A_1 : i32
    "tpu.region"() ({
      %run_scoped3A = tpu.sem_alloc : memref<!tpu.dma_semaphore, #tpu.memory_space<semaphore_mem>>
      %dma_start3A = arith.constant 0 : i32
      %dma_start3A_8 = tpu.memref_slice %arg10[%mul3A_2, %dma_start3A] : memref<10240x64xf32, #tpu.memory_space<vmem_shared>> -> memref<640x64xf32, #tpu.memory_space<vmem_shared>>
      %dma_start3A_9 = arith.constant 0 : i32
      %dma_start3A_10 = tpu.memref_slice %arg5[%mul3A_2, %dma_start3A_9] : memref<10240x64xf32, #tpu.memory_space<hbm>> -> memref<640x64xf32, #tpu.memory_space<hbm>>
      tpu.enqueue_dma source(%dma_start3A_10 : memref<640x64xf32, #tpu.memory_space<hbm>>) target(%dma_start3A_8 : memref<640x64xf32, #tpu.memory_space<vmem_shared>>) target_semaphore(%run_scoped3A : memref<!tpu.dma_semaphore, #tpu.memory_space<semaphore_mem>>)
      %dma_wait3A = arith.constant 0 : i32
      %dma_wait3A_11 = tpu.memref_slice %arg10[%mul3A_2, %dma_wait3A] : memref<10240x64xf32, #tpu.memory_space<vmem_shared>> -> memref<640x64xf32, #tpu.memory_space<vmem_shared>>
      %dma_wait3A_12 = arith.constant 0 : i32
      %dma_wait3A_13 = tpu.memref_slice %arg5[%mul3A_2, %dma_wait3A_12] : memref<10240x64xf32, #tpu.memory_space<hbm>> -> memref<640x64xf32, #tpu.memory_space<hbm>>
      tpu.wait_dma2 semaphore(%run_scoped3A : memref<!tpu.dma_semaphore, #tpu.memory_space<semaphore_mem>>) src(%dma_wait3A_13 : memref<640x64xf32, #tpu.memory_space<hbm>>) dst(%dma_wait3A_11 : memref<640x64xf32, #tpu.memory_space<vmem_shared>>)
      tpu.yield
    }) : () -> ()
    %barrier3A = arith.constant 0 : index
    tpu.barrier barrier_id(%barrier3A)
    %scan3A = arith.constant 0 : i32
    %scan3A_3 = arith.constant 79 : i32
    %scan3A_4 = arith.addi %scan3A, %scan3A_3 : i32
    %scan3A_5 = arith.constant 1 : i32
    scf.for %scan3A_8 = %scan3A to %scan3A_4 step %scan3A_5  : i32 {
      %mul3A_9 = arith.constant 1 : i32
      %mul3A_10 = arith.muli %scan3A_8, %mul3A_9 : i32
      %add3A_11 = arith.constant 0 : i32
      %add3A_12 = arith.addi %add3A_11, %mul3A_10 : i32
      %mul3A_13 = arith.constant 32 : i32
      %mul3A_14 = arith.muli %mul3A_13, %add3A_12 : i32
      %add3A_15 = arith.addi %add3A, %mul3A_14 : i32
      %lt3A = arith.constant 2500 : i32
      %lt3A_16 = arith.cmpi slt, %add3A_15, %lt3A : i32
      %convert_element_type3A = arith.extui %lt3A_16 : i1 to i32
      %cond3A = arith.constant 0 : i32
      %cond3A_17 = arith.cmpi ne, %convert_element_type3A, %cond3A : i32
      scf.if %cond3A_17 {
        %mul3A_18 = arith.constant 128 : i32
        %mul3A_19 = arith.muli %add3A_15, %mul3A_18 : i32
        %multiple_of3A = tpu.assume_multiple %mul3A_19, 128 : i32
        "tpu.region"() ({
          %run_scoped3A = tpu.sem_alloc : memref<!tpu.dma_semaphore, #tpu.memory_space<semaphore_mem>>
          %dma_start3A = tpu.memref_slice %arg3[%multiple_of3A] : memref<320000xi32, #tpu.memory_space<hbm>> -> memref<128xi32, #tpu.memory_space<hbm>>
          %dma_start3A_20 = tpu.memref_slice %arg3[%multiple_of3A] : memref<320000xi32, #tpu.memory_space<hbm>> -> memref<128xi32, #tpu.memory_space<hbm>>
          tpu.enqueue_dma source(%dma_start3A_20 : memref<128xi32, #tpu.memory_space<hbm>>) target(%arg7 : memref<128xi32, #tpu.memory_space<vmem>>) target_semaphore(%run_scoped3A : memref<!tpu.dma_semaphore, #tpu.memory_space<semaphore_mem>>)
          %dma_wait3A = tpu.memref_slice %arg3[%multiple_of3A] : memref<320000xi32, #tpu.memory_space<hbm>> -> memref<128xi32, #tpu.memory_space<hbm>>
          %dma_wait3A_21 = tpu.memref_slice %arg3[%multiple_of3A] : memref<320000xi32, #tpu.memory_space<hbm>> -> memref<128xi32, #tpu.memory_space<hbm>>
          tpu.wait_dma2 semaphore(%run_scoped3A : memref<!tpu.dma_semaphore, #tpu.memory_space<semaphore_mem>>) src(%dma_wait3A_21 : memref<128xi32, #tpu.memory_space<hbm>>) dst(%arg7 : memref<128xi32, #tpu.memory_space<vmem>>)
          tpu.yield
        }) : () -> ()
        "tpu.region"() ({
          %run_scoped3A = tpu.sem_alloc : memref<!tpu.dma_semaphore, #tpu.memory_space<semaphore_mem>>
          %dma_start3A = tpu.memref_slice %arg4[%multiple_of3A] : memref<320000xi32, #tpu.memory_space<hbm>> -> memref<128xi32, #tpu.memory_space<hbm>>
          %dma_start3A_20 = tpu.memref_slice %arg4[%multiple_of3A] : memref<320000xi32, #tpu.memory_space<hbm>> -> memref<128xi32, #tpu.memory_space<hbm>>
          tpu.enqueue_dma source(%dma_start3A_20 : memref<128xi32, #tpu.memory_space<hbm>>) target(%arg8 : memref<128xi32, #tpu.memory_space<vmem>>) target_semaphore(%run_scoped3A : memref<!tpu.dma_semaphore, #tpu.memory_space<semaphore_mem>>)
          %dma_wait3A = tpu.memref_slice %arg4[%multiple_of3A] : memref<320000xi32, #tpu.memory_space<hbm>> -> memref<128xi32, #tpu.memory_space<hbm>>
          %dma_wait3A_21 = tpu.memref_slice %arg4[%multiple_of3A] : memref<320000xi32, #tpu.memory_space<hbm>> -> memref<128xi32, #tpu.memory_space<hbm>>
          tpu.wait_dma2 semaphore(%run_scoped3A : memref<!tpu.dma_semaphore, #tpu.memory_space<semaphore_mem>>) src(%dma_wait3A_21 : memref<128xi32, #tpu.memory_space<hbm>>) dst(%arg8 : memref<128xi32, #tpu.memory_space<vmem>>)
          tpu.yield
        }) : () -> ()
        "tpu.region"() ({
          %run_scoped3A = tpu.sem_alloc : memref<!tpu.dma_semaphore, #tpu.memory_space<semaphore_mem>>
          %dma_start3A = arith.constant 0 : i32
          %dma_start3A_20 = arith.constant 0 : i32
          %dma_start3A_21 = tpu.memref_slice %arg2[%dma_start3A, %dma_start3A_20] : memref<10000x64xf32, #tpu.memory_space<hbm>> -> memref<10000x64xf32, #tpu.memory_space<hbm>>
          tpu.enqueue_indirect_dma source(%dma_start3A_21 : memref<10000x64xf32, #tpu.memory_space<hbm>>) target(%arg9 : memref<128x64xf32, #tpu.memory_space<vmem>>) offsets(%arg7 : memref<128xi32, #tpu.memory_space<vmem>>) semaphore(%run_scoped3A : memref<!tpu.dma_semaphore, #tpu.memory_space<semaphore_mem>>)
          %dma_wait3A = arith.constant 0 : i32
          %dma_wait3A_22 = arith.constant 0 : i32
          %dma_wait3A_23 = tpu.memref_slice %arg2[%dma_wait3A, %dma_wait3A_22] : memref<10000x64xf32, #tpu.memory_space<hbm>> -> memref<10000x64xf32, #tpu.memory_space<hbm>>
          tpu.wait_indirect_dma semaphore(%run_scoped3A : memref<!tpu.dma_semaphore, #tpu.memory_space<semaphore_mem>>) src(%dma_wait3A_23 : memref<10000x64xf32, #tpu.memory_space<hbm>>) dst(%arg9 : memref<128x64xf32, #tpu.memory_space<vmem>>)
          tpu.yield
        }) : () -> ()
        "tpu.region"() ({
          %run_scoped3A = tpu.sem_alloc : memref<!tpu.dma_semaphore, #tpu.memory_space<semaphore_mem>>
          %dma_start3A = arith.constant 0 : i32
          %dma_start3A_20 = arith.constant 0 : i32
          %dma_start3A_21 = tpu.memref_slice %arg10[%dma_start3A, %dma_start3A_20] : memref<10240x64xf32, #tpu.memory_space<vmem_shared>> -> memref<10240x64xf32, #tpu.memory_space<vmem_shared>>
          tpu.enqueue_indirect_dma source(%arg9 : memref<128x64xf32, #tpu.memory_space<vmem>>) target(%dma_start3A_21 : memref<10240x64xf32, #tpu.memory_space<vmem_shared>>) offsets(%arg8 : memref<128xi32, #tpu.memory_space<vmem>>) semaphore(%run_scoped3A : memref<!tpu.dma_semaphore, #tpu.memory_space<semaphore_mem>>) {add = true}
          %dma_wait3A = arith.constant 0 : i32
          %dma_wait3A_22 = arith.constant 0 : i32
          %dma_wait3A_23 = tpu.memref_slice %arg10[%dma_wait3A, %dma_wait3A_22] : memref<10240x64xf32, #tpu.memory_space<vmem_shared>> -> memref<10240x64xf32, #tpu.memory_space<vmem_shared>>
          tpu.wait_indirect_dma semaphore(%run_scoped3A : memref<!tpu.dma_semaphore, #tpu.memory_space<semaphore_mem>>) src(%arg9 : memref<128x64xf32, #tpu.memory_space<vmem>>) dst(%dma_wait3A_23 : memref<10240x64xf32, #tpu.memory_space<vmem_shared>>)
          tpu.yield
        }) : () -> ()
      } else {
      }
    }
    %scan3A_6 = arith.constant 79 : i32
    %barrier3A_7 = arith.constant 0 : index
    tpu.barrier barrier_id(%barrier3A_7)
    "tpu.region"() ({
      %run_scoped3A = tpu.sem_alloc : memref<!tpu.dma_semaphore, #tpu.memory_space<semaphore_mem>>
      %dma_start3A = arith.constant 0 : i32
      %dma_start3A_8 = tpu.memref_slice %arg6[%arg0, %mul3A_2, %dma_start3A] : memref<2x10240x64xf32, #tpu.memory_space<hbm>> -> memref<1x640x64xf32, #tpu.memory_space<hbm>>
      %dma_start3A_9 = tpu.memref_squeeze %dma_start3A_8 : memref<1x640x64xf32, #tpu.memory_space<hbm>> -> memref<640x64xf32, #tpu.memory_space<hbm>>
      %dma_start3A_10 = arith.constant 0 : i32
      %dma_start3A_11 = tpu.memref_slice %arg10[%mul3A_2, %dma_start3A_10] : memref<10240x64xf32, #tpu.memory_space<vmem_shared>> -> memref<640x64xf32, #tpu.memory_space<vmem_shared>>
      tpu.enqueue_dma source(%dma_start3A_11 : memref<640x64xf32, #tpu.memory_space<vmem_shared>>) target(%dma_start3A_9 : memref<640x64xf32, #tpu.memory_space<hbm>>) target_semaphore(%run_scoped3A : memref<!tpu.dma_semaphore, #tpu.memory_space<semaphore_mem>>)
      %dma_wait3A = arith.constant 0 : i32
      %dma_wait3A_12 = tpu.memref_slice %arg6[%arg0, %mul3A_2, %dma_wait3A] : memref<2x10240x64xf32, #tpu.memory_space<hbm>> -> memref<1x640x64xf32, #tpu.memory_space<hbm>>
      %dma_wait3A_13 = tpu.memref_squeeze %dma_wait3A_12 : memref<1x640x64xf32, #tpu.memory_space<hbm>> -> memref<640x64xf32, #tpu.memory_space<hbm>>
      %dma_wait3A_14 = arith.constant 0 : i32
      %dma_wait3A_15 = tpu.memref_slice %arg10[%mul3A_2, %dma_wait3A_14] : memref<10240x64xf32, #tpu.memory_space<vmem_shared>> -> memref<640x64xf32, #tpu.memory_space<vmem_shared>>
      tpu.wait_dma2 semaphore(%run_scoped3A : memref<!tpu.dma_semaphore, #tpu.memory_space<semaphore_mem>>) src(%dma_wait3A_15 : memref<640x64xf32, #tpu.memory_space<vmem_shared>>) dst(%dma_wait3A_13 : memref<640x64xf32, #tpu.memory_space<hbm>>)
      tpu.yield
    }) : () -> ()
    return
  }
}

#map = affine_map<(d0, d1) -> (0)>
#map1 = affine_map<(d0, d1) -> (0, 0)>
#map2 = affine_map<(d0, d1) -> (0, 0, 0)>
module attributes {stable_mosaic.version = 14 : i64} {
  func.func @deg_kernel(%arg0: i32, %arg1: i32, %arg2: memref<320000xi32, #tpu.memory_space<hbm>>, %arg3: memref<10240x16xf32, #tpu.memory_space<hbm>>, %arg4: memref<2x10240x16xf32, #tpu.memory_space<hbm>>, %arg5: memref<128xi32, #tpu.memory_space<vmem>>, %arg6: memref<128x16xf32, #tpu.memory_space<vmem>>, %arg7: memref<10240x16xf32, #tpu.memory_space<vmem_shared>>) attributes {dimension_semantics = [#tpu.dimension_semantics<core_parallel>, #tpu.dimension_semantics<subcore_parallel>], iteration_bounds = array<i64: 2, 16>, scalar_prefetch = 0 : i64, scratch_operands = 3 : i64, tpu.core_type = #tpu.core_type<sc_vector_subcore>, window_params = [{transform_indices = #map}, {transform_indices = #map1}, {transform_indices = #map2}]} {
    %mul3A = arith.constant 2 : i32
    %mul3A_0 = arith.muli %arg1, %mul3A : i32
    %add3A = arith.addi %mul3A_0, %arg0 : i32
    %mul3A_1 = arith.constant 640 : i32
    %mul3A_2 = arith.muli %arg1, %mul3A_1 : i32
    %scan3A = arith.constant 0 : i32
    %scan3A_3 = arith.constant 128 : i32
    %scan3A_4 = arith.addi %scan3A, %scan3A_3 : i32
    %scan3A_5 = arith.constant 1 : i32
    scf.for %scan3A_13 = %scan3A to %scan3A_4 step %scan3A_5  : i32 {
      %mul3A_14 = arith.constant 1 : i32
      %mul3A_15 = arith.muli %scan3A_13, %mul3A_14 : i32
      %add3A_16 = arith.constant 0 : i32
      %add3A_17 = arith.addi %add3A_16, %mul3A_15 : i32
      %broadcast_in_dim3A = arith.constant 1.000000e+00 : f32
      %broadcast_in_dim3A_18 = vector.broadcast %broadcast_in_dim3A : f32 to vector<16xf32>
      %swap3A = arith.index_cast %add3A_17 : i32 to index
      %swap3A_19 = arith.constant 0 : index
      %swap3A_20 = tpu.vector_load %arg6[%swap3A, %swap3A_19] {strides = array<i32>} : memref<128x16xf32, #tpu.memory_space<vmem>>, vector<1x16xf32>,
      %swap3A_21 = vector.shape_cast %swap3A_20 : vector<1x16xf32> to vector<16xf32>
      %swap3A_22 = vector.shape_cast %broadcast_in_dim3A_18 : vector<16xf32> to vector<1x16xf32>
      tpu.vector_store %arg6[%swap3A, %swap3A_19], %swap3A_22 {strides = array<i32>} : memref<128x16xf32, #tpu.memory_space<vmem>>, vector<1x16xf32>,
    }
    %scan3A_6 = arith.constant 128 : i32
    "tpu.region"() ({
      %run_scoped3A = tpu.sem_alloc : memref<!tpu.dma_semaphore, #tpu.memory_space<semaphore_mem>>
      %dma_start3A = arith.constant 0 : i32
      %dma_start3A_13 = tpu.memref_slice %arg7[%mul3A_2, %dma_start3A] : memref<10240x16xf32, #tpu.memory_space<vmem_shared>> -> memref<640x16xf32, #tpu.memory_space<vmem_shared>>
      %dma_start3A_14 = arith.constant 0 : i32
      %dma_start3A_15 = tpu.memref_slice %arg3[%mul3A_2, %dma_start3A_14] : memref<10240x16xf32, #tpu.memory_space<hbm>> -> memref<640x16xf32, #tpu.memory_space<hbm>>
      tpu.enqueue_dma source(%dma_start3A_15 : memref<640x16xf32, #tpu.memory_space<hbm>>) target(%dma_start3A_13 : memref<640x16xf32, #tpu.memory_space<vmem_shared>>) target_semaphore(%run_scoped3A : memref<!tpu.dma_semaphore, #tpu.memory_space<semaphore_mem>>)
      %dma_wait3A = arith.constant 0 : i32
      %dma_wait3A_16 = tpu.memref_slice %arg7[%mul3A_2, %dma_wait3A] : memref<10240x16xf32, #tpu.memory_space<vmem_shared>> -> memref<640x16xf32, #tpu.memory_space<vmem_shared>>
      %dma_wait3A_17 = arith.constant 0 : i32
      %dma_wait3A_18 = tpu.memref_slice %arg3[%mul3A_2, %dma_wait3A_17] : memref<10240x16xf32, #tpu.memory_space<hbm>> -> memref<640x16xf32, #tpu.memory_space<hbm>>
      tpu.wait_dma2 semaphore(%run_scoped3A : memref<!tpu.dma_semaphore, #tpu.memory_space<semaphore_mem>>) src(%dma_wait3A_18 : memref<640x16xf32, #tpu.memory_space<hbm>>) dst(%dma_wait3A_16 : memref<640x16xf32, #tpu.memory_space<vmem_shared>>)
      tpu.yield
    }) : () -> ()
    %barrier3A = arith.constant 0 : index
    tpu.barrier barrier_id(%barrier3A)
    %scan3A_7 = arith.constant 0 : i32
    %scan3A_8 = arith.constant 79 : i32
    %scan3A_9 = arith.addi %scan3A_7, %scan3A_8 : i32
    %scan3A_10 = arith.constant 1 : i32
    scf.for %scan3A_13 = %scan3A_7 to %scan3A_9 step %scan3A_10  : i32 {
      %mul3A_14 = arith.constant 1 : i32
      %mul3A_15 = arith.muli %scan3A_13, %mul3A_14 : i32
      %add3A_16 = arith.constant 0 : i32
      %add3A_17 = arith.addi %add3A_16, %mul3A_15 : i32
      %mul3A_18 = arith.constant 32 : i32
      %mul3A_19 = arith.muli %mul3A_18, %add3A_17 : i32
      %add3A_20 = arith.addi %add3A, %mul3A_19 : i32
      %lt3A = arith.constant 2500 : i32
      %lt3A_21 = arith.cmpi slt, %add3A_20, %lt3A : i32
      %convert_element_type3A = arith.extui %lt3A_21 : i1 to i32
      %cond3A = arith.constant 0 : i32
      %cond3A_22 = arith.cmpi ne, %convert_element_type3A, %cond3A : i32
      scf.if %cond3A_22 {
        %mul3A_23 = arith.constant 128 : i32
        %mul3A_24 = arith.muli %add3A_20, %mul3A_23 : i32
        %multiple_of3A = tpu.assume_multiple %mul3A_24, 128 : i32
        "tpu.region"() ({
          %run_scoped3A = tpu.sem_alloc : memref<!tpu.dma_semaphore, #tpu.memory_space<semaphore_mem>>
          %dma_start3A = tpu.memref_slice %arg2[%multiple_of3A] : memref<320000xi32, #tpu.memory_space<hbm>> -> memref<128xi32, #tpu.memory_space<hbm>>
          %dma_start3A_25 = tpu.memref_slice %arg2[%multiple_of3A] : memref<320000xi32, #tpu.memory_space<hbm>> -> memref<128xi32, #tpu.memory_space<hbm>>
          tpu.enqueue_dma source(%dma_start3A_25 : memref<128xi32, #tpu.memory_space<hbm>>) target(%arg5 : memref<128xi32, #tpu.memory_space<vmem>>) target_semaphore(%run_scoped3A : memref<!tpu.dma_semaphore, #tpu.memory_space<semaphore_mem>>)
          %dma_wait3A = tpu.memref_slice %arg2[%multiple_of3A] : memref<320000xi32, #tpu.memory_space<hbm>> -> memref<128xi32, #tpu.memory_space<hbm>>
          %dma_wait3A_26 = tpu.memref_slice %arg2[%multiple_of3A] : memref<320000xi32, #tpu.memory_space<hbm>> -> memref<128xi32, #tpu.memory_space<hbm>>
          tpu.wait_dma2 semaphore(%run_scoped3A : memref<!tpu.dma_semaphore, #tpu.memory_space<semaphore_mem>>) src(%dma_wait3A_26 : memref<128xi32, #tpu.memory_space<hbm>>) dst(%arg5 : memref<128xi32, #tpu.memory_space<vmem>>)
          tpu.yield
        }) : () -> ()
        "tpu.region"() ({
          %run_scoped3A = tpu.sem_alloc : memref<!tpu.dma_semaphore, #tpu.memory_space<semaphore_mem>>
          %dma_start3A = arith.constant 0 : i32
          %dma_start3A_25 = arith.constant 0 : i32
          %dma_start3A_26 = tpu.memref_slice %arg7[%dma_start3A, %dma_start3A_25] : memref<10240x16xf32, #tpu.memory_space<vmem_shared>> -> memref<10240x16xf32, #tpu.memory_space<vmem_shared>>
          tpu.enqueue_indirect_dma source(%arg6 : memref<128x16xf32, #tpu.memory_space<vmem>>) target(%dma_start3A_26 : memref<10240x16xf32, #tpu.memory_space<vmem_shared>>) offsets(%arg5 : memref<128xi32, #tpu.memory_space<vmem>>) semaphore(%run_scoped3A : memref<!tpu.dma_semaphore, #tpu.memory_space<semaphore_mem>>) {add = true}
          %dma_wait3A = arith.constant 0 : i32
          %dma_wait3A_27 = arith.constant 0 : i32
          %dma_wait3A_28 = tpu.memref_slice %arg7[%dma_wait3A, %dma_wait3A_27] : memref<10240x16xf32, #tpu.memory_space<vmem_shared>> -> memref<10240x16xf32, #tpu.memory_space<vmem_shared>>
          tpu.wait_indirect_dma semaphore(%run_scoped3A : memref<!tpu.dma_semaphore, #tpu.memory_space<semaphore_mem>>) src(%arg6 : memref<128x16xf32, #tpu.memory_space<vmem>>) dst(%dma_wait3A_28 : memref<10240x16xf32, #tpu.memory_space<vmem_shared>>)
          tpu.yield
        }) : () -> ()
      } else {
      }
    }
    %scan3A_11 = arith.constant 79 : i32
    %barrier3A_12 = arith.constant 0 : index
    tpu.barrier barrier_id(%barrier3A_12)
    "tpu.region"() ({
      %run_scoped3A = tpu.sem_alloc : memref<!tpu.dma_semaphore, #tpu.memory_space<semaphore_mem>>
      %dma_start3A = arith.constant 0 : i32
      %dma_start3A_13 = tpu.memref_slice %arg4[%arg0, %mul3A_2, %dma_start3A] : memref<2x10240x16xf32, #tpu.memory_space<hbm>> -> memref<1x640x16xf32, #tpu.memory_space<hbm>>
      %dma_start3A_14 = tpu.memref_squeeze %dma_start3A_13 : memref<1x640x16xf32, #tpu.memory_space<hbm>> -> memref<640x16xf32, #tpu.memory_space<hbm>>
      %dma_start3A_15 = arith.constant 0 : i32
      %dma_start3A_16 = tpu.memref_slice %arg7[%mul3A_2, %dma_start3A_15] : memref<10240x16xf32, #tpu.memory_space<vmem_shared>> -> memref<640x16xf32, #tpu.memory_space<vmem_shared>>
      tpu.enqueue_dma source(%dma_start3A_16 : memref<640x16xf32, #tpu.memory_space<vmem_shared>>) target(%dma_start3A_14 : memref<640x16xf32, #tpu.memory_space<hbm>>) target_semaphore(%run_scoped3A : memref<!tpu.dma_semaphore, #tpu.memory_space<semaphore_mem>>)
      %dma_wait3A = arith.constant 0 : i32
      %dma_wait3A_17 = tpu.memref_slice %arg4[%arg0, %mul3A_2, %dma_wait3A] : memref<2x10240x16xf32, #tpu.memory_space<hbm>> -> memref<1x640x16xf32, #tpu.memory_space<hbm>>
      %dma_wait3A_18 = tpu.memref_squeeze %dma_wait3A_17 : memref<1x640x16xf32, #tpu.memory_space<hbm>> -> memref<640x16xf32, #tpu.memory_space<hbm>>
      %dma_wait3A_19 = arith.constant 0 : i32
      %dma_wait3A_20 = tpu.memref_slice %arg7[%mul3A_2, %dma_wait3A_19] : memref<10240x16xf32, #tpu.memory_space<vmem_shared>> -> memref<640x16xf32, #tpu.memory_space<vmem_shared>>
      tpu.wait_dma2 semaphore(%run_scoped3A : memref<!tpu.dma_semaphore, #tpu.memory_space<semaphore_mem>>) src(%dma_wait3A_20 : memref<640x16xf32, #tpu.memory_space<vmem_shared>>) dst(%dma_wait3A_18 : memref<640x16xf32, #tpu.memory_space<hbm>>)
      tpu.yield
    }) : () -> ()
    return
  }
}

module attributes {stable_mosaic.version = 14 : i64} {
  func.func @_stage_a_body(%arg0: memref<10000x131xf32, #tpu.memory_space<vmem>>, %arg1: memref<131x64xf32, #tpu.memory_space<vmem>>, %arg2: memref<10000x1xf32, #tpu.memory_space<vmem>>, %arg3: memref<10000x1xf32, #tpu.memory_space<vmem>>, %arg4: memref<10000x64xf32, #tpu.memory_space<vmem>>, %arg5: memref<10000x1xf32, #tpu.memory_space<vmem>>) attributes {dimension_semantics = [], scalar_prefetch = 0 : i64, scratch_operands = 0 : i64, tpu.core_type = #tpu.core_type<tc>} {
    %get3A = arith.constant 0 : index
    %get3A_0 = arith.constant 0 : index
    %get3A_1 = vector.load %arg2[%get3A, %get3A_0] : memref<10000x1xf32, #tpu.memory_space<vmem>>, vector<10000x1xf32>
    %add3A = arith.constant 1.000000e+00 : f32
    %add3A_2 = vector.broadcast %add3A : f32 to vector<10000x1xf32>
    %add3A_3 = arith.addf %add3A_2, %get3A_1 : vector<10000x1xf32>
    %get3A_4 = arith.constant 0 : index
    %get3A_5 = arith.constant 0 : index
    %get3A_6 = vector.load %arg3[%get3A_4, %get3A_5] : memref<10000x1xf32, #tpu.memory_space<vmem>>, vector<10000x1xf32>
    %add3A_7 = arith.addf %add3A_3, %get3A_6 : vector<10000x1xf32>
    %rsqrt3A = math.rsqrt %add3A_7 : vector<10000x1xf32>
    %get3A_8 = arith.constant 0 : index
    %get3A_9 = arith.constant 0 : index
    %get3A_10 = vector.load %arg0[%get3A_8, %get3A_9] : memref<10000x131xf32, #tpu.memory_space<vmem>>, vector<10000x131xf32>
    %get3A_11 = arith.constant 0 : index
    %get3A_12 = arith.constant 0 : index
    %get3A_13 = vector.load %arg1[%get3A_11, %get3A_12] : memref<131x64xf32, #tpu.memory_space<vmem>>, vector<131x64xf32>
    %dot_general3A = arith.constant dense<0.000000e+00> : vector<10000x64xf32>
    %dot_general3A_14 = tpu.matmul %get3A_10, %get3A_13, %dot_general3A {dimension_numbers = #tpu.dot_dimension_numbers<[1], [0], [0], [1], [0, 0, 1, 1], [], []>, transpose_lhs_hint = false} : vector<10000x131xf32>, vector<131x64xf32>, vector<10000x64xf32> -> vector<10000x64xf32>
    %mul3A = vector.broadcast %rsqrt3A : vector<10000x1xf32> to vector<10000x64xf32>
    %mul3A_15 = arith.mulf %dot_general3A_14, %mul3A : vector<10000x64xf32>
    %swap3A = arith.constant 0 : index
    %swap3A_16 = arith.constant 0 : index
    %swap3A_17 = vector.load %arg4[%swap3A, %swap3A_16] : memref<10000x64xf32, #tpu.memory_space<vmem>>, vector<10000x64xf32>
    tpu.vector_store %arg4[%swap3A, %swap3A_16], %mul3A_15 {strides = array<i32>} : memref<10000x64xf32, #tpu.memory_space<vmem>>, vector<10000x64xf32>,
    %swap3A_18 = arith.constant 0 : index
    %swap3A_19 = arith.constant 0 : index
    %swap3A_20 = vector.load %arg5[%swap3A_18, %swap3A_19] : memref<10000x1xf32, #tpu.memory_space<vmem>>, vector<10000x1xf32>
    tpu.vector_store %arg5[%swap3A_18, %swap3A_19], %rsqrt3A {strides = array<i32>} : memref<10000x1xf32, #tpu.memory_space<vmem>>, vector<10000x1xf32>,
    return
  }
}

module attributes {stable_mosaic.version = 14 : i64} {
  func.func @_stage_b_body(%arg0: memref<10000x64xf32, #tpu.memory_space<vmem>>, %arg1: memref<10000x64xf32, #tpu.memory_space<vmem>>, %arg2: memref<10000x64xf32, #tpu.memory_space<vmem>>, %arg3: memref<10000x1xf32, #tpu.memory_space<vmem>>, %arg4: memref<64x64xf32, #tpu.memory_space<vmem>>, %arg5: memref<1x64xf32, #tpu.memory_space<vmem>>, %arg6: memref<10000x64xf32, #tpu.memory_space<vmem>>) attributes {dimension_semantics = [], scalar_prefetch = 0 : i64, scratch_operands = 0 : i64, tpu.core_type = #tpu.core_type<tc>} {
    %get3A = arith.constant 0 : index
    %get3A_0 = arith.constant 0 : index
    %get3A_1 = vector.load %arg0[%get3A, %get3A_0] : memref<10000x64xf32, #tpu.memory_space<vmem>>, vector<10000x64xf32>
    %get3A_2 = arith.constant 0 : index
    %get3A_3 = arith.constant 0 : index
    %get3A_4 = vector.load %arg1[%get3A_2, %get3A_3] : memref<10000x64xf32, #tpu.memory_space<vmem>>, vector<10000x64xf32>
    %add3A = arith.addf %get3A_1, %get3A_4 : vector<10000x64xf32>
    %get3A_5 = arith.constant 0 : index
    %get3A_6 = arith.constant 0 : index
    %get3A_7 = vector.load %arg2[%get3A_5, %get3A_6] : memref<10000x64xf32, #tpu.memory_space<vmem>>, vector<10000x64xf32>
    %add3A_8 = arith.addf %add3A, %get3A_7 : vector<10000x64xf32>
    %get3A_9 = arith.constant 0 : index
    %get3A_10 = arith.constant 0 : index
    %get3A_11 = vector.load %arg3[%get3A_9, %get3A_10] : memref<10000x1xf32, #tpu.memory_space<vmem>>, vector<10000x1xf32>
    %mul3A = vector.broadcast %get3A_11 : vector<10000x1xf32> to vector<10000x64xf32>
    %mul3A_12 = arith.mulf %add3A_8, %mul3A : vector<10000x64xf32>
    %get3A_13 = arith.constant 0 : index
    %get3A_14 = arith.constant 0 : index
    %get3A_15 = vector.load %arg5[%get3A_13, %get3A_14] : memref<1x64xf32, #tpu.memory_space<vmem>>, vector<1x64xf32>
    %add3A_16 = vector.broadcast %get3A_15 : vector<1x64xf32> to vector<10000x64xf32>
    %add3A_17 = arith.addf %mul3A_12, %add3A_16 : vector<10000x64xf32>
    %max3A = arith.constant 0.000000e+00 : f32
    %max3A_18 = vector.broadcast %max3A : f32 to vector<10000x64xf32>
    %max3A_19 = arith.maximumf %add3A_17, %max3A_18 : vector<10000x64xf32>
    %get3A_20 = arith.constant 0 : index
    %get3A_21 = arith.constant 0 : index
    %get3A_22 = vector.load %arg4[%get3A_20, %get3A_21] : memref<64x64xf32, #tpu.memory_space<vmem>>, vector<64x64xf32>
    %dot_general3A = arith.constant dense<0.000000e+00> : vector<10000x64xf32>
    %dot_general3A_23 = tpu.matmul %max3A_19, %get3A_22, %dot_general3A {dimension_numbers = #tpu.dot_dimension_numbers<[1], [0], [0], [1], [0, 0, 1, 1], [], []>, transpose_lhs_hint = false} : vector<10000x64xf32>, vector<64x64xf32>, vector<10000x64xf32> -> vector<10000x64xf32>
    %get3A_24 = arith.constant 0 : index
    %get3A_25 = arith.constant 0 : index
    %get3A_26 = vector.load %arg3[%get3A_24, %get3A_25] : memref<10000x1xf32, #tpu.memory_space<vmem>>, vector<10000x1xf32>
    %mul3A_27 = vector.broadcast %get3A_26 : vector<10000x1xf32> to vector<10000x64xf32>
    %mul3A_28 = arith.mulf %dot_general3A_23, %mul3A_27 : vector<10000x64xf32>
    %swap3A = arith.constant 0 : index
    %swap3A_29 = arith.constant 0 : index
    %swap3A_30 = vector.load %arg6[%swap3A, %swap3A_29] : memref<10000x64xf32, #tpu.memory_space<vmem>>, vector<10000x64xf32>
    tpu.vector_store %arg6[%swap3A, %swap3A_29], %mul3A_28 {strides = array<i32>} : memref<10000x64xf32, #tpu.memory_space<vmem>>, vector<10000x64xf32>,
    return
  }
}

module attributes {stable_mosaic.version = 14 : i64} {
  func.func @_stage_c_body(%arg0: memref<10000x64xf32, #tpu.memory_space<vmem>>, %arg1: memref<10000x64xf32, #tpu.memory_space<vmem>>, %arg2: memref<10000x64xf32, #tpu.memory_space<vmem>>, %arg3: memref<10000x1xf32, #tpu.memory_space<vmem>>, %arg4: memref<1x64xf32, #tpu.memory_space<vmem>>, %arg5: memref<1x10000xi32, #tpu.memory_space<vmem>>, %arg6: memref<256x2065xf32, #tpu.memory_space<vmem>>, %arg7: memref<64x128xf32, #tpu.memory_space<vmem>>, %arg8: memref<2065x128xf32, #tpu.memory_space<vmem>>, %arg9: memref<1x128xf32, #tpu.memory_space<vmem>>, %arg10: memref<128x2xf32, #tpu.memory_space<vmem>>, %arg11: memref<1x2xf32, #tpu.memory_space<vmem>>, %arg12: memref<256x2xf32, #tpu.memory_space<vmem>>) attributes {dimension_semantics = [], scalar_prefetch = 0 : i64, scratch_operands = 0 : i64, tpu.core_type = #tpu.core_type<tc>} {
    %get3A = arith.constant 0 : index
    %get3A_0 = arith.constant 0 : index
    %get3A_1 = vector.load %arg0[%get3A, %get3A_0] : memref<10000x64xf32, #tpu.memory_space<vmem>>, vector<10000x64xf32>
    %get3A_2 = arith.constant 0 : index
    %get3A_3 = arith.constant 0 : index
    %get3A_4 = vector.load %arg1[%get3A_2, %get3A_3] : memref<10000x64xf32, #tpu.memory_space<vmem>>, vector<10000x64xf32>
    %add3A = arith.addf %get3A_1, %get3A_4 : vector<10000x64xf32>
    %get3A_5 = arith.constant 0 : index
    %get3A_6 = arith.constant 0 : index
    %get3A_7 = vector.load %arg2[%get3A_5, %get3A_6] : memref<10000x64xf32, #tpu.memory_space<vmem>>, vector<10000x64xf32>
    %add3A_8 = arith.addf %add3A, %get3A_7 : vector<10000x64xf32>
    %get3A_9 = arith.constant 0 : index
    %get3A_10 = arith.constant 0 : index
    %get3A_11 = vector.load %arg3[%get3A_9, %get3A_10] : memref<10000x1xf32, #tpu.memory_space<vmem>>, vector<10000x1xf32>
    %mul3A = vector.broadcast %get3A_11 : vector<10000x1xf32> to vector<10000x64xf32>
    %mul3A_12 = arith.mulf %add3A_8, %mul3A : vector<10000x64xf32>
    %get3A_13 = arith.constant 0 : index
    %get3A_14 = arith.constant 0 : index
    %get3A_15 = vector.load %arg4[%get3A_13, %get3A_14] : memref<1x64xf32, #tpu.memory_space<vmem>>, vector<1x64xf32>
    %add3A_16 = vector.broadcast %get3A_15 : vector<1x64xf32> to vector<10000x64xf32>
    %add3A_17 = arith.addf %mul3A_12, %add3A_16 : vector<10000x64xf32>
    %iota3A = tpu.iota {dimensions = array<i32: 0>} : vector<256x10000xi32>
    %get3A_18 = arith.constant 0 : index
    %get3A_19 = arith.constant 0 : index
    %get3A_20 = vector.load %arg5[%get3A_18, %get3A_19] : memref<1x10000xi32, #tpu.memory_space<vmem>>, vector<1x10000xi32>
    %eq3A = vector.broadcast %get3A_20 : vector<1x10000xi32> to vector<256x10000xi32>
    %eq3A_21 = arith.cmpi eq, %eq3A, %iota3A : vector<256x10000xi32>
    %convert_element_type3A = arith.extui %eq3A_21 : vector<256x10000xi1> to vector<256x10000xi32>
    %convert_element_type3A_22 = arith.sitofp %convert_element_type3A : vector<256x10000xi32> to vector<256x10000xf32>
    %dot_general3A = arith.constant dense<0.000000e+00> : vector<256x64xf32>
    %dot_general3A_23 = tpu.matmul %convert_element_type3A_22, %add3A_17, %dot_general3A {dimension_numbers = #tpu.dot_dimension_numbers<[1], [0], [0], [1], [0, 0, 1, 1], [], []>, transpose_lhs_hint = false} : vector<256x10000xf32>, vector<10000x64xf32>, vector<256x64xf32> -> vector<256x64xf32>
    %reduce_sum3A = arith.constant dense<0.000000e+00> : vector<256xf32>
    %reduce_sum3A_24 = vector.multi_reduction <add>, %convert_element_type3A_22, %reduce_sum3A [1] : vector<256x10000xf32> to vector<256xf32>
    %broadcast_in_dim3A = vector.shape_cast %reduce_sum3A_24 : vector<256xf32> to vector<256x1xf32>
    %max3A = arith.constant 1.000000e+00 : f32
    %max3A_25 = vector.broadcast %max3A : f32 to vector<256x1xf32>
    %max3A_26 = arith.maximumf %broadcast_in_dim3A, %max3A_25 : vector<256x1xf32>
    %div3A = vector.broadcast %max3A_26 : vector<256x1xf32> to vector<256x64xf32>
    %div3A_27 = arith.divf %dot_general3A_23, %div3A : vector<256x64xf32>
    %get3A_28 = arith.constant 0 : index
    %get3A_29 = arith.constant 0 : index
    %get3A_30 = vector.load %arg7[%get3A_28, %get3A_29] : memref<64x128xf32, #tpu.memory_space<vmem>>, vector<64x128xf32>
    %dot_general3A_31 = arith.constant dense<0.000000e+00> : vector<256x128xf32>
    %dot_general3A_32 = tpu.matmul %div3A_27, %get3A_30, %dot_general3A_31 {dimension_numbers = #tpu.dot_dimension_numbers<[1], [0], [0], [1], [0, 0, 1, 1], [], []>, transpose_lhs_hint = false} : vector<256x64xf32>, vector<64x128xf32>, vector<256x128xf32> -> vector<256x128xf32>
    %get3A_33 = arith.constant 0 : index
    %get3A_34 = arith.constant 0 : index
    %get3A_35 = vector.load %arg6[%get3A_33, %get3A_34] : memref<256x2065xf32, #tpu.memory_space<vmem>>, vector<256x2065xf32>
    %get3A_36 = arith.constant 0 : index
    %get3A_37 = arith.constant 0 : index
    %get3A_38 = vector.load %arg8[%get3A_36, %get3A_37] : memref<2065x128xf32, #tpu.memory_space<vmem>>, vector<2065x128xf32>
    %dot_general3A_39 = arith.constant dense<0.000000e+00> : vector<256x128xf32>
    %dot_general3A_40 = tpu.matmul %get3A_35, %get3A_38, %dot_general3A_39 {dimension_numbers = #tpu.dot_dimension_numbers<[1], [0], [0], [1], [0, 0, 1, 1], [], []>, transpose_lhs_hint = false} : vector<256x2065xf32>, vector<2065x128xf32>, vector<256x128xf32> -> vector<256x128xf32>
    %add3A_41 = arith.addf %dot_general3A_32, %dot_general3A_40 : vector<256x128xf32>
    %get3A_42 = arith.constant 0 : index
    %get3A_43 = arith.constant 0 : index
    %get3A_44 = vector.load %arg9[%get3A_42, %get3A_43] : memref<1x128xf32, #tpu.memory_space<vmem>>, vector<1x128xf32>
    %add3A_45 = vector.broadcast %get3A_44 : vector<1x128xf32> to vector<256x128xf32>
    %add3A_46 = arith.addf %add3A_41, %add3A_45 : vector<256x128xf32>
    %max3A_47 = arith.constant 0.000000e+00 : f32
    %max3A_48 = vector.broadcast %max3A_47 : f32 to vector<256x128xf32>
    %max3A_49 = arith.maximumf %add3A_46, %max3A_48 : vector<256x128xf32>
    %get3A_50 = arith.constant 0 : index
    %get3A_51 = arith.constant 0 : index
    %get3A_52 = vector.load %arg10[%get3A_50, %get3A_51] : memref<128x2xf32, #tpu.memory_space<vmem>>, vector<128x2xf32>
    %dot_general3A_53 = arith.constant dense<0.000000e+00> : vector<256x2xf32>
    %dot_general3A_54 = tpu.matmul %max3A_49, %get3A_52, %dot_general3A_53 {dimension_numbers = #tpu.dot_dimension_numbers<[1], [0], [0], [1], [0, 0, 1, 1], [], []>, transpose_lhs_hint = false} : vector<256x128xf32>, vector<128x2xf32>, vector<256x2xf32> -> vector<256x2xf32>
    %get3A_55 = arith.constant 0 : index
    %get3A_56 = arith.constant 0 : index
    %get3A_57 = vector.load %arg11[%get3A_55, %get3A_56] : memref<1x2xf32, #tpu.memory_space<vmem>>, vector<1x2xf32>
    %add3A_58 = vector.broadcast %get3A_57 : vector<1x2xf32> to vector<256x2xf32>
    %add3A_59 = arith.addf %dot_general3A_54, %add3A_58 : vector<256x2xf32>
    %swap3A = arith.constant 0 : index
    %swap3A_60 = arith.constant 0 : index
    %swap3A_61 = vector.load %arg12[%swap3A, %swap3A_60] : memref<256x2xf32, #tpu.memory_space<vmem>>, vector<256x2xf32>
    tpu.vector_store %arg12[%swap3A, %swap3A_60], %add3A_59 {strides = array<i32>} : memref<256x2xf32, #tpu.memory_space<vmem>>, vector<256x2xf32>,
    return
  }
}

</mosaic_0001>

<sc_bundles>
// kernel: kernel.11.cloned.1.call-start
scs
__scs_entry_jumppad:
0x0: {  	(pc) =	sbr.rel $0x88, $3  }
0x1: {  	(tag) =	ssettag $0x0;
	lr =	simm.s32 $0x1  }
0x2: {  	[smem:$0x3F95] =	sst lr;
	_ =	strace $0xD0000000  }
0x3: {  	_ = 	snop  }
0x4: {  	_ = 	snop  }
0x5: {  	_ = 	snop  }
0x6: {  	_ = 	snop  }
0x7: {  	_ = 	snop  }
__scs_overlays_trampoline_lowered:
0x8: {  	[smem:$0x3FA4] =	sst s0  }
0x9: {  	[smem:$0x3FA5] =	sst s1  }
0xa: {  	[smem:$0x3FA6] =	sst s2  }
0xb: {  	[smem:$0x3FA7] =	sst s3  }
0xc: {  	[smem:$0x3FA8] =	sst s4  }
0xd: {  	[smem:$0x3FA9] =	sst s5  }
0xe: {  	[smem:$0x3FAA] =	sst s6  }
0xf: {  	[smem:$0x3FAB] =	sst s7  }
0x10: {  	[smem:$0x3FAC] =	sst s8  }
0x11: {  	[smem:$0x3FAD] =	sst s9;
	s0 =	simm.s32 @!p0 $0x0  }
0x12: {  	s1 =	sld [smem:$0x3F93];
	s0 =	simm.s32 @p0 $0x1  }
0x13: {  	[smem:$0x3FAE] =	sst s0;
	s0 =	simm.s32 @!p1 $0x0  }
0x14: {  	s2 =	sld [smem:$0x3F92];
	s0 =	simm.s32 @p1 $0x1  }
0x15: {  	[smem:$0x3FAF] =	sst s0;
	s0 =	simm.s32 @!p2 $0x0  }
0x16: {  	s3 =	sld [smem:$0x3FDB];
	s0 =	simm.s32 @p2 $0x1  }
0x17: {  	s4 =	simm.s32 $0x1BF5;
	[smem:$0x3FB1] =	sst s0  }
0x18: {  	s0 =	sld [smem:$0x3F94];
	_ =	swait.ge [sflag:s4], $0x0  }
0x19: {  	s7 =	sld [smem:$0x3F95]  }
0x1a: {  	s8 =	sadd.s32 $0xFFFFE003, lr  }
0x1b: {  	s9 =	sadd.s32 $0xFFFFFEF7, lr;
	s5 =	simm.s32 $0xFFFFFFFF;
	p2 =	slt.u32 s8, $0xFFFFF086  }
0x1c: {  	p1 =	slt.u32 s9, $0xF7A;
	s5 =	simm.s32 @!p2 $0x0  }
0x1d: {  	s5 =	simm.s32 @p1 $0x1;
	p0 =	seq.s32 s7, s2  }
0x1e: {  	s7 =	smul.u32 @!p0 $0xF7A, s2;
	p2 =	seq.s32 @!p0 s5, $0x0  }
0x1f: {  	s9 =	smul.u32 $0xF7A, s1;
	s8 =	simm.s32 @!p0 $0x1BF5;
	p2 =	por !p2, p0  }
0x20: {  	[sflag:s8] =	ssyncset.s32 @!p0 $0xFFFFF086;
	s6 =	sadd.s32 @!p0 s3, s7;
	s7 =	simm.s32 @!p0 $0x108  }
0x21: {  	s3 =	sadd.s32 s3, s9;
	s6 =	sadd.s32 @!p0 $0x88, s6;
	s7 =	simm.s32 @p2 $0x1082  }
0x22: {  	[simem:s7], [sflag:s8] =	dma.local @!p0 [hbm:s6], $0xF7A  }
0x23: {  	s9 =	sor.u32 $0xD0000000, s2;
	s6 =	simm.s32 $0x108;
	_ =	swait.ge @!p0 [sflag:s8], $0x0  }
0x24: {  	s3 =	sadd.s32 $0x88, s3;
	s6 =	simm.s32 @!p1 $0x1082;
	[sflag:s4] =	ssyncset.s32 $0xFFFFF086  }
0x25: {  	[simem:s6], [sflag:s4] =	dma.local [hbm:s3], $0xF7A  }
0x26: {  	[smem:$0x3F95] =	sst s1;
	(tag) =	ssettag s2;
	_ =	strace s9  }
0x27: {  	s1 =	sld [smem:$0x3FA5]  }
0x28: {  	s2 =	sld [smem:$0x3FA6]  }
0x29: {  	s4 =	sld [smem:$0x3FA8]  }
0x2a: {  	p0 =	seq.s32 s5, $0x0;
	s5 =	sld [smem:$0x3FA9]  }
0x2b: {  	s6 =	sld [smem:$0x3FAA]  }
0x2c: {  	s7 =	sld [smem:$0x3FAB]  }
0x2d: {  	s3 =	simm.s32 $0x108;
	s8 =	sld [smem:$0x3FAC]  }
0x2e: {  	s3 =	simm.s32 @!p0 $0x1082;
	s9 =	sld [smem:$0x3FAD]  }
0x2f: {  	lr =	sadd.s32 s0, s3;
	s0 =	sld [smem:$0x3FA4]  }
0x30: {  	s3 =	sld [smem:$0x3FA7]  }
0x31: {  	[smem:$0x3FB0] =	sst s10  }
0x32: {  	s10 =	sld [smem:$0x3FAE];
	_ =	sdelay $0x3  }
0x33: {  	p0 =	seq.s32 s10, $0x1;
	s10 =	sld [smem:$0x3FB0];
	_ =	sdelay $0x3  }
0x34: {  	[smem:$0x3FB0] =	sst s10  }
0x35: {  	s10 =	sld [smem:$0x3FAF];
	_ =	sdelay $0x3  }
0x36: {  	p1 =	seq.s32 s10, $0x1;
	s10 =	sld [smem:$0x3FB0];
	_ =	sdelay $0x3  }
0x37: {  	[smem:$0x3FB0] =	sst s10  }
0x38: {  	s10 =	sld [smem:$0x3FB1]  }
0x39: {  	_ = 	snop;
	(pc) =	sbr.ind lr, $3  }
0x3a: {  	_ = 	snop  }
0x3b: {  	_ = 	snop  }
0x3c: {  	p2 =	seq.s32 s10, $0x1;
	s10 =	sld [smem:$0x3FB0]  }
0x3d: {  	_ =	shalt  }
0x3e: {  	_ =	shalt  }
0x3f: {  	_ =	shalt  }
0x40: {  	_ =	shalt  }
0x41: {  	_ =	shalt  }
0x42: {  	_ =	shalt  }
0x43: {  	_ =	shalt  }
0x44: {  	_ =	shalt  }
0x45: {  	_ =	shalt  }
0x46: {  	_ =	shalt  }
0x47: {  	_ =	shalt  }
0x48: {  	_ =	shalt  }
0x49: {  	_ =	shalt  }
0x4a: {  	_ =	shalt  }
0x4b: {  	_ =	shalt  }
0x4c: {  	_ =	shalt  }
0x4d: {  	_ =	shalt  }
0x4e: {  	_ =	shalt  }
0x4f: {  	_ =	shalt  }
0x50: {  	_ =	shalt  }
0x51: {  	_ =	shalt  }
0x52: {  	_ =	shalt  }
0x53: {  	_ =	shalt  }
0x54: {  	_ =	shalt  }
0x55: {  	_ =	shalt  }
0x56: {  	_ =	shalt  }
0x57: {  	_ =	shalt  }
0x58: {  	_ =	shalt  }
0x59: {  	_ =	shalt  }
0x5a: {  	_ =	shalt  }
0x5b: {  	_ =	shalt  }
0x5c: {  	_ =	shalt  }
0x5d: {  	_ =	shalt  }
0x5e: {  	_ =	shalt  }
0x5f: {  	_ =	shalt  }
0x60: {  	_ =	shalt  }
0x61: {  	_ =	shalt  }
0x62: {  	_ =	shalt  }
0x63: {  	_ =	shalt  }
0x64: {  	_ =	shalt  }
0x65: {  	_ =	shalt  }
0x66: {  	_ =	shalt  }
0x67: {  	_ =	shalt  }
0x68: {  	_ =	shalt  }
0x69: {  	_ =	shalt  }
0x6a: {  	_ =	shalt  }
0x6b: {  	_ =	shalt  }
0x6c: {  	_ =	shalt  }
0x6d: {  	_ =	shalt  }
0x6e: {  	_ =	shalt  }
0x6f: {  	_ =	shalt  }
0x70: {  	_ =	shalt  }
0x71: {  	_ =	shalt  }
0x72: {  	_ =	shalt  }
0x73: {  	_ =	shalt  }
0x74: {  	_ =	shalt  }
0x75: {  	_ =	shalt  }
0x76: {  	_ =	shalt  }
0x77: {  	_ =	shalt  }
0x78: {  	_ =	shalt  }
0x79: {  	_ =	shalt  }
0x7a: {  	_ =	shalt  }
0x7b: {  	_ =	shalt  }
0x7c: {  	_ =	shalt  }
0x7d: {  	_ =	shalt  }
0x7e: {  	_ =	shalt  }
0x7f: {  	_ =	shalt  }
0x80: {  	_ =	shalt  }
0x81: {  	_ =	shalt  }
0x82: {  	_ =	shalt  }
0x83: {  	_ =	shalt  }
0x84: {  	_ =	shalt  }
0x85: {  	_ =	shalt  }
0x86: {  	_ =	shalt  }
0x87: {  	_ =	shalt  }
.Lfunc_end0:
.L_simem_size_0:
called_computation.1_lowered:
.L_overlay_start_0:
0x88: {  	s2 =	sld [smem:$0x3FD9]  }
0x89: {  	s3 =	sld [smem:$0x3FFE];
	_ =	sdelay $0x1  }
0x8a: {  	s1 =	srdreg.scid  }
0x8b: {  	s0 =	sand.u32 $0x1, s1  }
0x8c: {  	s16 =	sshll.u32 s0, $0xA;
	s2 =	sadd.s32 s3, s2  }
0x8d: {  	s2 =	sadd.s32 s2, s16  }
0x8e: {  	[smem:$0x3FBC] =	sst s2  }
0x8f: {  	_ = 	snop  }
0x90: {  	(tm) =	ssettm $0x1  }
0x91: {  	s17 =	sld [smem:$0x3FFB];
	_ =	sdelay $0x3  }
0x92: {  	_ =	strace s17  }
0x93: {  	s2 =	sld [smem:$0x3FFC];
	_ =	sdelay $0x3  }
0x94: {  	_ =	strace s2  }
0x95: {  	s2 =	sld [smem:$0x3FFD];
	_ =	sdelay $0x3  }
0x96: {  	_ =	strace s2  }
0x97: {  	_ =	strace $0x8FFFFFFF  }
0x98: {  	s18 =	sld [smem:$0x3FDB];
	_ =	sdelay $0x1  }
0x99: {  	s19 =	simm.s32 $_scs_section_size  }
0x9a: {  	s4 =	simm.s32 $_size__tile_overlayer_lowered;
	s5 =	simm.s32 $_tile_overlayer_lowered  }
0x9b: {  	s22 =	simm.s32 $0x1BFF;
	s21 =	sshll.u32 s5, $0x1;
	s2 =	sadd.s32 s19, s18  }
0x9c: {  	s6 =	simm.s32 $0x0;
	s20 =	sshll.u32 s4, $0x1;
	s4 =	sadd.s32 s21, s2  }
0x9d: {  	[timem:s6], [sflag:s22] =	dma.local [hbm:s4], s20  }
0x9e: {  	_ =	swait.ge [sflag:s22], s20  }
0x9f: {  	s3 =	ssub.s32 $0x0, s20;
	[sflag:s22] =	ssyncset.done $0x0  }
0xa0: {  	[sflag:s22] =	ssyncadd.s32 s3;
	_ =	sdelay $0x1  }
0xa1: {  	s23 =	simm.s32 $0x1B8B  }
0xa2: {  	_ =	swait.ge [sflag:s23], $0x1  }
0xa3: {  	[sflag:s23] =	ssyncset.done $0x0  }
0xa4: {  	s25 =	simm.s32 $0x1B8E;
	s24 =	sld [smem:$0x3FFE];
	[sflag:s23] =	ssyncadd.s32 $0xFFFFFFFF  }
0xa5: {  	s26 =	simm.s32 $execute0_lowered;
	[smem:$0x3FD2] =	sst s25  }
0xa6: {  	s4 =	sshll.u32 s26, $0x1;
	_ =	strace $0x80000049;
	[dreg:$0x1] =	wrdreg $0xFFFFFFFF  }
0xa7: {  	s28 =	simm.s32 $_size_execute0_lowered;
	s2 =	sadd.s32 s2, s4;
	[dreg:$0x0] =	wrdreg $0x0  }
0xa8: {  	s4 =	sshll.u32 s28, $0x1;
	[dreg:$0x2] =	wrdreg s2  }
0xa9: {  	[dreg:$0x3] =	wrdreg s4  }
0xaa: {  	[dreg:$0x4] =	wrdreg $0xC0  }
0xab: {  	_ =	task [dreg:s6], $0x5FFFF  }
0xac: {  	[dreg:$0x1] =	wrdreg $0xFFFFFFFF  }
0xad: {  	[dreg:$0x0] =	wrdreg $0x60  }
0xae: {  	[dreg:$0x2] =	wrdreg s24  }
0xaf: {  	[dreg:$0x3] =	wrdreg $0x21000  }
0xb0: {  	[dreg:$0x4] =	wrdreg $0x9  }
0xb1: {  	_ =	task.clear_ibuf [dreg:s6], $0x5FFFF;
	_ =	strace $0x90000049  }
0xb2: {  	s29 =	simm.s32 $0x9;
	_ =	strace $0x8000004B  }
0xb3: {  	_ =	swait.ge [sflag:s29], $0x1  }
0xb4: {  	[sflag:s29] =	ssyncadd.s32 $0xFFFFFFFF  }
0xb5: {  	_ =	strace $0x9000004B  }
0xb6: {  	_ =	sfence  }
0xb7: {  	s30 =	sld [smem:$0x0];
	_ =	sdelay $0x2  }
0xb8: {  	s31 =	sshll.u32 s1, $0xD;
	s1 =	sshrl.u32 s1, $0x2  }
0xb9: {  	s3 =	sand.u32 $0x4000, s31;
	s1 =	sadd.s32 s1, s30  }
0xba: {  	s0 =	sor.u32 s3, s0;
	s1 =	sshll.u32 s1, $0x11  }
0xbb: {  	s0 =	sor.u32 s1, s0  }
0xbc: {  	s0 =	sadd.s32 $0x8F2B, s0  }
0xbd: {  	[sflag:s0] =	ssyncadd.remote.s32 $0x1  }
0xbe: {  	_ =	sfence.sel $0xFFFF  }
0xbf: {  	[dreg:$0x0] =	wrdreg $0xFFFFFFFF;
	(pc) =	sbr.abs _section_cstart, $3  }
0xc0: {  	[dreg:$0x1] =	wrdreg $0xFFFFFFFF  }
0xc1: {  	_ =	task.clear_ibuf [dreg:s6], $0x2FFFF;
	_ =	strace $0x9FFFFFFF  }
0xc2: {  	(tm) =	ssettm $0x7FFFFFFF  }
0xc3: {  	_ =	shalt  }
tec
execute0_lowered:
.L_overlay_start_1:
0x0: {  	(tag) =	ssettag $0x1  }
0x1: {  	s5 =	rddreg [dreg:$0x0]  }
0x2: {  	s2 =	rddreg [dreg:$0x1]  }
0x3: {  	s0 =	rddreg [dreg:$0x2]  }
0x4: {  	s1 =	stileid.u32;
	s4 =	srdreg.scid  }
0x5: {  	s3 =	simm.s32 $0x0;
	s6 =	smul.u32 $0xA000, s1;
	s7 =	sand.u32 $0x1, s4  }
0x6: {  	[smem:$0x7FF] =	sst s3;
	s8 =	sshll.u32 s1, $0x5;
	s4 =	sadd.s32 $0x3D800, s5  }
0x7: {  	s13 =	sshll.u32 s1, $0x6;
	s9 =	smul.u32 $0xA0000, s7;
	_ =	strace $0x8000004A  }
0x8: {  	s8 =	sadd.s32 s8, s5;
	s11 =	ssub.s32 $0x2, s7;
	s14 =	sshll.u32 s7, $0x4  }
0x9: {  	s7 =	sor.u32 $0x1C01, s13;
	s13 =	simm.s32 $0x1;
	s10 =	sshrl.u32 s6, $0x3  }
0xa: {  	s12 =	sshrl.u32 s11, $0x1;
	s30 =	sadd.s32 s6, s2;
	s31 =	sadd.s32 s14, s8  }
0xb: {  	s9 =	sadd.s32 s6, s9;
	s10 =	sadd.s32 s10, s5;
	s11 =	ssub.s32 s11, s12  }
0xc: {  	s12 =	sshrl.u32 s30, $0x3;
	s9 =	sshrl.u32 s9, $0x3;
	s6 =	sadd.s32 $0x51200, s10  }
0xd: {  	s10 =	sadd.s32 $0xC800, s31;
	s9 =	sadd.s32 s9, s5;
	s5 =	sshll.u32 s1, $0x1  }
0xe: {  	s8 =	sadd.s32 $0x65200, s9;
	s9 =	smax.u32 s11, $0x1;
	s11 =	sadd.s32 $0x2A00, s31  }
.LBB2_1:
0xf: {  	[spmem:s12], [sflag:s7] =	dma.local [hbm:s6], $0x1400  }
0x10: {  	_ =	swait.ge [sflag:s13], $0x1400  }
0x11: {  	p0 =	sgt.u32 s5, $0x9C3;
	[sflag:s13] =	ssyncset.done $0x0  }
0x12: {  	s14 =	sadd.s32 @!p0 $0x0, s11;
	[sflag:s13] =	ssyncadd.s32 $0xFFFFEC00  }
0x13: {  	s15 =	simm.s32 @!p0 $0x0;
	s16 =	simm.s32 @!p0 $0x2;
	[bflag:$0x0] =	sbarrier.arrive $0xFFFF  }
0x14: {  	[tilespmem:s15], [sflag:$0x2] =	stream.linear.gather @!p0 [hbm4b:s14+s15], $0x80, $0x38;
	[tilespmem:$0xC100] =	vst v63  }
0x15: {  	_ =	swait.ge @!p0 [sflag:s16], $0x80;
	p0 =	por p0, p0  }
0x16: {  	[sflag:s16] =	ssyncset.done @!p0 $0x0  }
0x17: {  	s14 =	sadd.s32 @!p0 $0x0, s10;
	s17 =	simm.s32 @!p0 $0x80;
	[sflag:s16] =	ssyncadd.s32 @!p0 $0xFFFFFF80  }
0x18: {  	[tilespmem:s17], [sflag:$0x2] =	stream.linear.gather @!p0 [hbm4b:s14+s15], $0x80, $0x38;
	[tilespmem:$0xC100] =	vst v63  }
0x19: {  	_ =	swait.ge @!p0 [sflag:s16], $0x80  }
0x1a: {  	[sflag:s16] =	ssyncset.done @!p0 $0x0  }
0x1b: {  	s14 =	simm.s32 @!p0 $0x100;
	[sflag:s16] =	ssyncadd.s32 @!p0 $0xFFFFFF80  }
0x1c: {  	[tilespmem:s14], [sflag:$0x2] =	stream.indirect.gather @!p0 [hbm4b:s4+s17], $0x40, s15, s17, $0xb8;
	[tilespmem:$0xC100] =	vst v63  }
0x1d: {  	_ =	swait.ge @!p0 [sflag:s16], $0x2000  }
0x1e: {  	[sflag:s16] =	ssyncset.done @!p0 $0x0  }
0x1f: {  	s15 =	sadd.s32 $0x20, s5;
	[sflag:s16] =	ssyncadd.s32 @!p0 $0xFFFFE000  }
0x20: {  	[spmem:s2] =	stream.indirect.scatter.add.f32 @!p0 [tilespmem:s14], [sflag:$0x1], $0x40, s17, s17, $0xb8;
	[tilespmem:$0xC100] =	vst v63  }
0x21: {  	p2 =	sgt.u32 s15, $0x9C3;
	s17 =	simm.s32 @!p0 $0x1  }
0x22: {  	s16 =	simm.s32 $0x400;
	s14 =	simm.s32 $0x200;
	_ =	swait.ge @!p0 [sflag:s17], $0x2000  }
.LBB2_2:
0x23: {  	s18 =	sadd.s32 @!p2 s14, s11  }
0x24: {  	s19 =	simm.s32 @!p2 $0x0;
	[sflag:s17] =	ssyncset.done @!p0 $0x0;
	s20 =	smov.u32 s16  }
0x25: {  	s16 =	sadd.s32 $0x200, s16;
	s21 =	simm.s32 @!p2 $0x2;
	[sflag:s17] =	ssyncadd.s32 @!p0 $0xFFFFE000  }
0x26: {  	[tilespmem:s19], [sflag:$0x2] =	stream.linear.gather @!p2 [hbm4b:s18+s19], $0x80, $0x38;
	[tilespmem:$0xC100] =	vst v63  }
0x27: {  	p1 =	sne.s32 s16, $0x9E00;
	p0 =	por p2, p2;
	_ =	swait.ge @!p2 [sflag:s21], $0x80  }
0x28: {  	[sflag:s21] =	ssyncset.done @!p0 $0x0  }
0x29: {  	s14 =	sadd.s32 @!p0 s14, s10;
	s18 =	simm.s32 @!p0 $0x80;
	[sflag:s21] =	ssyncadd.s32 @!p0 $0xFFFFFF80  }
0x2a: {  	[tilespmem:s18], [sflag:$0x2] =	stream.linear.gather @!p0 [hbm4b:s14+s19], $0x80, $0x38;
	[tilespmem:$0xC100] =	vst v63  }
0x2b: {  	s14 =	smov.u32 s20;
	_ =	swait.ge @!p0 [sflag:s21], $0x80  }
0x2c: {  	[sflag:s21] =	ssyncset.done @!p0 $0x0  }
0x2d: {  	s20 =	simm.s32 @!p0 $0x100;
	[sflag:s21] =	ssyncadd.s32 @!p0 $0xFFFFFF80  }
0x2e: {  	[tilespmem:s20], [sflag:$0x2] =	stream.indirect.gather @!p0 [hbm4b:s4+s18], $0x40, s19, s18, $0xb8;
	[tilespmem:$0xC100] =	vst v63  }
.Ltmp0:
0x2f: {  	_ =	swait.ge @!p0 [sflag:s21], $0x2000;
	(pc) =	sbr.rel @p1 .LBB2_2-.Ltmp0, $4  }
0x30: {  	[sflag:s21] =	ssyncset.done @!p0 $0x0  }
0x31: {  	s15 =	sadd.s32 $0x20, s15;
	s17 =	simm.s32 @!p0 $0x1;
	[sflag:s21] =	ssyncadd.s32 @!p0 $0xFFFFE000  }
0x32: {  	[spmem:s2] =	stream.indirect.scatter.add.f32 @!p0 [tilespmem:s20], [sflag:$0x1], $0x40, s18, s18, $0xb8;
	[tilespmem:$0xC100] =	vst v63  }
0x33: {  	p2 =	sgt.u32 s15, $0x9C3;
	_ =	swait.ge @!p0 [sflag:s17], $0x2000  }
0x34: {  	s15 =	sadd.s32 @!p2 s14, s11;
	[sflag:s17] =	ssyncset.done @!p0 $0x0  }
0x35: {  	s16 =	simm.s32 @!p2 $0x0;
	s18 =	simm.s32 @!p2 $0x2;
	[sflag:s17] =	ssyncadd.s32 @!p0 $0xFFFFE000  }
0x36: {  	[tilespmem:s16], [sflag:$0x2] =	stream.linear.gather @!p2 [hbm4b:s15+s16], $0x80, $0x38;
	[tilespmem:$0xC100] =	vst v63  }
0x37: {  	p0 =	por p2, p2;
	_ =	swait.ge @!p2 [sflag:s18], $0x80  }
0x38: {  	[sflag:s18] =	ssyncset.done @!p0 $0x0  }
0x39: {  	s14 =	sadd.s32 @!p0 s14, s10;
	s15 =	simm.s32 @!p0 $0x80;
	[sflag:s18] =	ssyncadd.s32 @!p0 $0xFFFFFF80  }
0x3a: {  	[tilespmem:s15], [sflag:$0x2] =	stream.linear.gather @!p0 [hbm4b:s14+s16], $0x80, $0x38;
	[tilespmem:$0xC100] =	vst v63  }
0x3b: {  	_ =	swait.ge @!p0 [sflag:s18], $0x80  }
0x3c: {  	[sflag:s18] =	ssyncset.done @!p0 $0x0  }
0x3d: {  	s14 =	simm.s32 @!p0 $0x100;
	[sflag:s18] =	ssyncadd.s32 @!p0 $0xFFFFFF80  }
0x3e: {  	[tilespmem:s14], [sflag:$0x2] =	stream.indirect.gather @!p0 [hbm4b:s4+s15], $0x40, s16, s15, $0xb8;
	[tilespmem:$0xC100] =	vst v63  }
0x3f: {  	_ =	swait.ge @!p0 [sflag:s18], $0x2000  }
0x40: {  	[sflag:s18] =	ssyncset.done @!p0 $0x0  }
0x41: {  	s16 =	simm.s32 @!p0 $0x1;
	[sflag:s18] =	ssyncadd.s32 @!p0 $0xFFFFE000  }
0x42: {  	[spmem:s2] =	stream.indirect.scatter.add.f32 @!p0 [tilespmem:s14], [sflag:$0x1], $0x40, s15, s15, $0xb8;
	[tilespmem:$0xC100] =	vst v63  }
0x43: {  	_ =	swait.ge @!p0 [sflag:s16], $0x2000  }
0x44: {  	s3 =	sadd.s32 $0x1, s3;
	[sflag:s16] =	ssyncset.done @!p0 $0x0  }
0x45: {  	[sflag:s16] =	ssyncadd.s32 @!p0 $0xFFFFE000;
	p0 =	sne.s32 s3, s9  }
.Ltmp1:
0x46: {  	[bflag:$0x0] =	sbarrier.arrive $0xFFFF;
	(pc) =	sbr.rel @p0 .LBB2_1-.Ltmp1, $4  }
0x47: {  	[hbm:s8], [sflag:s7] =	dma.local [spmem:s12], $0x1400  }
0x48: {  	_ =	swait.ge [sflag:s13], $0x1400  }
0x49: {  	[sflag:s13] =	ssyncset.done $0x0  }
0x4a: {  	[sflag:s13] =	ssyncadd.s32 $0xFFFFEC00  }
0x4b: {  	_ =	sfence.sel $0x180000  }
0x4c: {  	[bflag:$0x0] =	sbarrier.arrive $0xFFFF  }
0x4d: {  	p0 =	sne.s32 s1, $0x0;
	_ =	strace $0x9000004A  }
0x4e: {  	s0 =	sadd.s32 @!p0 $0x100000, s0;
	[bflag:$0x2] =	sbarrier.arrive $0xFFFF  }
0x4f: {  	[sflag:s0] =	ssyncadd.tile.s32 @!p0 $0x1;
	_ =	shalt  }
.Lfunc_end2:
_tile_overlayer_lowered:
.L_overlay_start_2:
0x50: {  	(tag) =	ssettag $0x2  }
0x51: {  	s0 =	rddreg [dreg:$0x0];
	s2 =	stileid.u32  }
0x52: {  	s1 =	rddreg [dreg:$0x1];
	p0 =	sne.s32 s2, $0x0  }
0x53: {  	s3 =	rddreg [dreg:$0x2];
	[bflag:$0x3] =	sbarrier.arrive $0xFFFF;
	s2 =	simm.s32 @!p0 $0x1C01  }
0x54: {  	[timem:s3], [sflag:s2] =	dma.local @!p0 [hbm:s0], s1  }
0x55: {  	s0 =	simm.s32 @!p0 $0x1  }
0x56: {  	_ =	swait.ge @!p0 [sflag:s0], s1  }
0x57: {  	s1 =	ssub.s32 @!p0 $0x0, s1;
	[sflag:s0] =	ssyncset.done @!p0 $0x0  }
0x58: {  	[sflag:s0] =	ssyncadd.s32 @!p0 s1  }
0x59: {  	[bflag:$0x3] =	sbarrier.arrive $0xFFFF  }
0x5a: {  	_ =	shalt  }

// kernel: kernel.14.cloned.1.call-start
scs
__scs_entry_jumppad:
0x0: {  	(pc) =	sbr.rel $0x88, $3  }
0x1: {  	(tag) =	ssettag $0x0;
	lr =	simm.s32 $0x1  }
0x2: {  	[smem:$0x3F95] =	sst lr;
	_ =	strace $0xD0000000  }
0x3: {  	_ = 	snop  }
0x4: {  	_ = 	snop  }
0x5: {  	_ = 	snop  }
0x6: {  	_ = 	snop  }
0x7: {  	_ = 	snop  }
__scs_overlays_trampoline_lowered:
0x8: {  	[smem:$0x3FA4] =	sst s0  }
0x9: {  	[smem:$0x3FA5] =	sst s1  }
0xa: {  	[smem:$0x3FA6] =	sst s2  }
0xb: {  	[smem:$0x3FA7] =	sst s3  }
0xc: {  	[smem:$0x3FA8] =	sst s4  }
0xd: {  	[smem:$0x3FA9] =	sst s5  }
0xe: {  	[smem:$0x3FAA] =	sst s6  }
0xf: {  	[smem:$0x3FAB] =	sst s7  }
0x10: {  	[smem:$0x3FAC] =	sst s8  }
0x11: {  	[smem:$0x3FAD] =	sst s9;
	s0 =	simm.s32 @!p0 $0x0  }
0x12: {  	s1 =	sld [smem:$0x3F93];
	s0 =	simm.s32 @p0 $0x1  }
0x13: {  	[smem:$0x3FAE] =	sst s0;
	s0 =	simm.s32 @!p1 $0x0  }
0x14: {  	s2 =	sld [smem:$0x3F92];
	s0 =	simm.s32 @p1 $0x1  }
0x15: {  	[smem:$0x3FAF] =	sst s0;
	s0 =	simm.s32 @!p2 $0x0  }
0x16: {  	s3 =	sld [smem:$0x3FDB];
	s0 =	simm.s32 @p2 $0x1  }
0x17: {  	s4 =	simm.s32 $0x1BF5;
	[smem:$0x3FB1] =	sst s0  }
0x18: {  	s0 =	sld [smem:$0x3F94];
	_ =	swait.ge [sflag:s4], $0x0  }
0x19: {  	s7 =	sld [smem:$0x3F95]  }
0x1a: {  	s8 =	sadd.s32 $0xFFFFE003, lr  }
0x1b: {  	s9 =	sadd.s32 $0xFFFFFEF7, lr;
	s5 =	simm.s32 $0xFFFFFFFF;
	p2 =	slt.u32 s8, $0xFFFFF086  }
0x1c: {  	p1 =	slt.u32 s9, $0xF7A;
	s5 =	simm.s32 @!p2 $0x0  }
0x1d: {  	s5 =	simm.s32 @p1 $0x1;
	p0 =	seq.s32 s7, s2  }
0x1e: {  	s7 =	smul.u32 @!p0 $0xF7A, s2;
	p2 =	seq.s32 @!p0 s5, $0x0  }
0x1f: {  	s9 =	smul.u32 $0xF7A, s1;
	s8 =	simm.s32 @!p0 $0x1BF5;
	p2 =	por !p2, p0  }
0x20: {  	[sflag:s8] =	ssyncset.s32 @!p0 $0xFFFFF086;
	s6 =	sadd.s32 @!p0 s3, s7;
	s7 =	simm.s32 @!p0 $0x108  }
0x21: {  	s3 =	sadd.s32 s3, s9;
	s6 =	sadd.s32 @!p0 $0x88, s6;
	s7 =	simm.s32 @p2 $0x1082  }
0x22: {  	[simem:s7], [sflag:s8] =	dma.local @!p0 [hbm:s6], $0xF7A  }
0x23: {  	s9 =	sor.u32 $0xD0000000, s2;
	s6 =	simm.s32 $0x108;
	_ =	swait.ge @!p0 [sflag:s8], $0x0  }
0x24: {  	s3 =	sadd.s32 $0x88, s3;
	s6 =	simm.s32 @!p1 $0x1082;
	[sflag:s4] =	ssyncset.s32 $0xFFFFF086  }
0x25: {  	[simem:s6], [sflag:s4] =	dma.local [hbm:s3], $0xF7A  }
0x26: {  	[smem:$0x3F95] =	sst s1;
	(tag) =	ssettag s2;
	_ =	strace s9  }
0x27: {  	s1 =	sld [smem:$0x3FA5]  }
0x28: {  	s2 =	sld [smem:$0x3FA6]  }
0x29: {  	s4 =	sld [smem:$0x3FA8]  }
0x2a: {  	p0 =	seq.s32 s5, $0x0;
	s5 =	sld [smem:$0x3FA9]  }
0x2b: {  	s6 =	sld [smem:$0x3FAA]  }
0x2c: {  	s7 =	sld [smem:$0x3FAB]  }
0x2d: {  	s3 =	simm.s32 $0x108;
	s8 =	sld [smem:$0x3FAC]  }
0x2e: {  	s3 =	simm.s32 @!p0 $0x1082;
	s9 =	sld [smem:$0x3FAD]  }
0x2f: {  	lr =	sadd.s32 s0, s3;
	s0 =	sld [smem:$0x3FA4]  }
0x30: {  	s3 =	sld [smem:$0x3FA7]  }
0x31: {  	[smem:$0x3FB0] =	sst s10  }
0x32: {  	s10 =	sld [smem:$0x3FAE];
	_ =	sdelay $0x3  }
0x33: {  	p0 =	seq.s32 s10, $0x1;
	s10 =	sld [smem:$0x3FB0];
	_ =	sdelay $0x3  }
0x34: {  	[smem:$0x3FB0] =	sst s10  }
0x35: {  	s10 =	sld [smem:$0x3FAF];
	_ =	sdelay $0x3  }
0x36: {  	p1 =	seq.s32 s10, $0x1;
	s10 =	sld [smem:$0x3FB0];
	_ =	sdelay $0x3  }
0x37: {  	[smem:$0x3FB0] =	sst s10  }
0x38: {  	s10 =	sld [smem:$0x3FB1]  }
0x39: {  	_ = 	snop;
	(pc) =	sbr.ind lr, $3  }
0x3a: {  	_ = 	snop  }
0x3b: {  	_ = 	snop  }
0x3c: {  	p2 =	seq.s32 s10, $0x1;
	s10 =	sld [smem:$0x3FB0]  }
0x3d: {  	_ =	shalt  }
0x3e: {  	_ =	shalt  }
0x3f: {  	_ =	shalt  }
0x40: {  	_ =	shalt  }
0x41: {  	_ =	shalt  }
0x42: {  	_ =	shalt  }
0x43: {  	_ =	shalt  }
0x44: {  	_ =	shalt  }
0x45: {  	_ =	shalt  }
0x46: {  	_ =	shalt  }
0x47: {  	_ =	shalt  }
0x48: {  	_ =	shalt  }
0x49: {  	_ =	shalt  }
0x4a: {  	_ =	shalt  }
0x4b: {  	_ =	shalt  }
0x4c: {  	_ =	shalt  }
0x4d: {  	_ =	shalt  }
0x4e: {  	_ =	shalt  }
0x4f: {  	_ =	shalt  }
0x50: {  	_ =	shalt  }
0x51: {  	_ =	shalt  }
0x52: {  	_ =	shalt  }
0x53: {  	_ =	shalt  }
0x54: {  	_ =	shalt  }
0x55: {  	_ =	shalt  }
0x56: {  	_ =	shalt  }
0x57: {  	_ =	shalt  }
0x58: {  	_ =	shalt  }
0x59: {  	_ =	shalt  }
0x5a: {  	_ =	shalt  }
0x5b: {  	_ =	shalt  }
0x5c: {  	_ =	shalt  }
0x5d: {  	_ =	shalt  }
0x5e: {  	_ =	shalt  }
0x5f: {  	_ =	shalt  }
0x60: {  	_ =	shalt  }
0x61: {  	_ =	shalt  }
0x62: {  	_ =	shalt  }
0x63: {  	_ =	shalt  }
0x64: {  	_ =	shalt  }
0x65: {  	_ =	shalt  }
0x66: {  	_ =	shalt  }
0x67: {  	_ =	shalt  }
0x68: {  	_ =	shalt  }
0x69: {  	_ =	shalt  }
0x6a: {  	_ =	shalt  }
0x6b: {  	_ =	shalt  }
0x6c: {  	_ =	shalt  }
0x6d: {  	_ =	shalt  }
0x6e: {  	_ =	shalt  }
0x6f: {  	_ =	shalt  }
0x70: {  	_ =	shalt  }
0x71: {  	_ =	shalt  }
0x72: {  	_ =	shalt  }
0x73: {  	_ =	shalt  }
0x74: {  	_ =	shalt  }
0x75: {  	_ =	shalt  }
0x76: {  	_ =	shalt  }
0x77: {  	_ =	shalt  }
0x78: {  	_ =	shalt  }
0x79: {  	_ =	shalt  }
0x7a: {  	_ =	shalt  }
0x7b: {  	_ =	shalt  }
0x7c: {  	_ =	shalt  }
0x7d: {  	_ =	shalt  }
0x7e: {  	_ =	shalt  }
0x7f: {  	_ =	shalt  }
0x80: {  	_ =	shalt  }
0x81: {  	_ =	shalt  }
0x82: {  	_ =	shalt  }
0x83: {  	_ =	shalt  }
0x84: {  	_ =	shalt  }
0x85: {  	_ =	shalt  }
0x86: {  	_ =	shalt  }
0x87: {  	_ =	shalt  }
.Lfunc_end0:
.L_simem_size_0:
called_computation.2_lowered:
.L_overlay_start_0:
0x88: {  	s2 =	sld [smem:$0x3FD9]  }
0x89: {  	s3 =	sld [smem:$0x3FFE];
	_ =	sdelay $0x1  }
0x8a: {  	s1 =	srdreg.scid  }
0x8b: {  	s0 =	sand.u32 $0x1, s1  }
0x8c: {  	s16 =	sshll.u32 s0, $0xA;
	s2 =	sadd.s32 s3, s2  }
0x8d: {  	s2 =	sadd.s32 s2, s16  }
0x8e: {  	[smem:$0x3FBC] =	sst s2  }
0x8f: {  	_ = 	snop  }
0x90: {  	(tm) =	ssettm $0x1  }
0x91: {  	s17 =	sld [smem:$0x3FFB];
	_ =	sdelay $0x3  }
0x92: {  	_ =	strace s17  }
0x93: {  	s2 =	sld [smem:$0x3FFC];
	_ =	sdelay $0x3  }
0x94: {  	_ =	strace s2  }
0x95: {  	s2 =	sld [smem:$0x3FFD];
	_ =	sdelay $0x3  }
0x96: {  	_ =	strace s2  }
0x97: {  	_ =	strace $0x8FFFFFFF  }
0x98: {  	s18 =	sld [smem:$0x3FDB];
	_ =	sdelay $0x1  }
0x99: {  	s19 =	simm.s32 $_scs_section_size  }
0x9a: {  	s4 =	simm.s32 $_size__tile_overlayer_lowered;
	s5 =	simm.s32 $_tile_overlayer_lowered  }
0x9b: {  	s22 =	simm.s32 $0x1BFF;
	s21 =	sshll.u32 s5, $0x1;
	s2 =	sadd.s32 s19, s18  }
0x9c: {  	s6 =	simm.s32 $0x0;
	s20 =	sshll.u32 s4, $0x1;
	s4 =	sadd.s32 s21, s2  }
0x9d: {  	[timem:s6], [sflag:s22] =	dma.local [hbm:s4], s20  }
0x9e: {  	_ =	swait.ge [sflag:s22], s20  }
0x9f: {  	s3 =	ssub.s32 $0x0, s20;
	[sflag:s22] =	ssyncset.done $0x0  }
0xa0: {  	[sflag:s22] =	ssyncadd.s32 s3;
	_ =	sdelay $0x1  }
0xa1: {  	s23 =	simm.s32 $0x1B8B  }
0xa2: {  	_ =	swait.ge [sflag:s23], $0x1  }
0xa3: {  	[sflag:s23] =	ssyncset.done $0x0  }
0xa4: {  	s25 =	simm.s32 $0x1B8E;
	s24 =	sld [smem:$0x3FFE];
	[sflag:s23] =	ssyncadd.s32 $0xFFFFFFFF  }
0xa5: {  	s26 =	simm.s32 $execute0_lowered;
	[smem:$0x3FD2] =	sst s25  }
0xa6: {  	s4 =	sshll.u32 s26, $0x1;
	_ =	strace $0x8000004C;
	[dreg:$0x1] =	wrdreg $0xFFFFFFFF  }
0xa7: {  	s28 =	simm.s32 $_size_execute0_lowered;
	s2 =	sadd.s32 s2, s4;
	[dreg:$0x0] =	wrdreg $0x0  }
0xa8: {  	s4 =	sshll.u32 s28, $0x1;
	[dreg:$0x2] =	wrdreg s2  }
0xa9: {  	[dreg:$0x3] =	wrdreg s4  }
0xaa: {  	[dreg:$0x4] =	wrdreg $0xC0  }
0xab: {  	_ =	task [dreg:s6], $0x5FFFF  }
0xac: {  	[dreg:$0x1] =	wrdreg $0xFFFFFFFF  }
0xad: {  	[dreg:$0x0] =	wrdreg $0x60  }
0xae: {  	[dreg:$0x2] =	wrdreg s24  }
0xaf: {  	[dreg:$0x3] =	wrdreg $0x21000  }
0xb0: {  	[dreg:$0x4] =	wrdreg $0x9  }
0xb1: {  	_ =	task.clear_ibuf [dreg:s6], $0x5FFFF;
	_ =	strace $0x9000004C  }
0xb2: {  	s29 =	simm.s32 $0x9;
	_ =	strace $0x8000004E  }
0xb3: {  	_ =	swait.ge [sflag:s29], $0x1  }
0xb4: {  	[sflag:s29] =	ssyncadd.s32 $0xFFFFFFFF  }
0xb5: {  	_ =	strace $0x9000004E  }
0xb6: {  	_ =	sfence  }
0xb7: {  	s30 =	sld [smem:$0x0];
	_ =	sdelay $0x2  }
0xb8: {  	s31 =	sshll.u32 s1, $0xD;
	s1 =	sshrl.u32 s1, $0x2  }
0xb9: {  	s3 =	sand.u32 $0x4000, s31;
	s1 =	sadd.s32 s1, s30  }
0xba: {  	s0 =	sor.u32 s3, s0;
	s1 =	sshll.u32 s1, $0x11  }
0xbb: {  	s0 =	sor.u32 s1, s0  }
0xbc: {  	s0 =	sadd.s32 $0x8F2B, s0  }
0xbd: {  	[sflag:s0] =	ssyncadd.remote.s32 $0x1  }
0xbe: {  	_ =	sfence.sel $0xFFFF  }
0xbf: {  	[dreg:$0x0] =	wrdreg $0xFFFFFFFF;
	(pc) =	sbr.abs _section_cstart, $3  }
0xc0: {  	[dreg:$0x1] =	wrdreg $0xFFFFFFFF  }
0xc1: {  	_ =	task.clear_ibuf [dreg:s6], $0x2FFFF;
	_ =	strace $0x9FFFFFFF  }
0xc2: {  	(tm) =	ssettm $0x7FFFFFFF  }
0xc3: {  	_ =	shalt  }
tec
execute0_lowered:
.L_overlay_start_1:
0x0: {  	(tag) =	ssettag $0x1  }
0x1: {  	s5 =	rddreg [dreg:$0x0]  }
0x2: {  	s2 =	rddreg [dreg:$0x1]  }
0x3: {  	s0 =	rddreg [dreg:$0x2]  }
0x4: {  	s1 =	stileid.u32;
	s4 =	srdreg.scid  }
0x5: {  	s3 =	simm.s32 $0x0;
	s6 =	smul.u32 $0xA000, s1;
	s7 =	sand.u32 $0x1, s4  }
0x6: {  	[smem:$0x7FF] =	sst s3;
	s8 =	sshll.u32 s1, $0x5;
	s4 =	sadd.s32 $0x3D800, s5  }
0x7: {  	s13 =	sshll.u32 s1, $0x6;
	s9 =	smul.u32 $0xA0000, s7;
	_ =	strace $0x8000004D  }
0x8: {  	s8 =	sadd.s32 s8, s5;
	s11 =	ssub.s32 $0x2, s7;
	s14 =	sshll.u32 s7, $0x4  }
0x9: {  	s7 =	sor.u32 $0x1C01, s13;
	s13 =	simm.s32 $0x1;
	s10 =	sshrl.u32 s6, $0x3  }
0xa: {  	s12 =	sshrl.u32 s11, $0x1;
	s30 =	sadd.s32 s6, s2;
	s31 =	sadd.s32 s14, s8  }
0xb: {  	s9 =	sadd.s32 s6, s9;
	s10 =	sadd.s32 s10, s5;
	s11 =	ssub.s32 s11, s12  }
0xc: {  	s12 =	sshrl.u32 s30, $0x3;
	s9 =	sshrl.u32 s9, $0x3;
	s6 =	sadd.s32 $0x51200, s10  }
0xd: {  	s10 =	sadd.s32 $0xC800, s31;
	s9 =	sadd.s32 s9, s5;
	s5 =	sshll.u32 s1, $0x1  }
0xe: {  	s8 =	sadd.s32 $0x65200, s9;
	s9 =	smax.u32 s11, $0x1;
	s11 =	sadd.s32 $0x2A00, s31  }
.LBB2_1:
0xf: {  	[spmem:s12], [sflag:s7] =	dma.local [hbm:s6], $0x1400  }
0x10: {  	_ =	swait.ge [sflag:s13], $0x1400  }
0x11: {  	p0 =	sgt.u32 s5, $0x9C3;
	[sflag:s13] =	ssyncset.done $0x0  }
0x12: {  	s14 =	sadd.s32 @!p0 $0x0, s11;
	[sflag:s13] =	ssyncadd.s32 $0xFFFFEC00  }
0x13: {  	s15 =	simm.s32 @!p0 $0x0;
	s16 =	simm.s32 @!p0 $0x2;
	[bflag:$0x0] =	sbarrier.arrive $0xFFFF  }
0x14: {  	[tilespmem:s15], [sflag:$0x2] =	stream.linear.gather @!p0 [hbm4b:s14+s15], $0x80, $0x38;
	[tilespmem:$0xC100] =	vst v63  }
0x15: {  	_ =	swait.ge @!p0 [sflag:s16], $0x80;
	p0 =	por p0, p0  }
0x16: {  	[sflag:s16] =	ssyncset.done @!p0 $0x0  }
0x17: {  	s14 =	sadd.s32 @!p0 $0x0, s10;
	s17 =	simm.s32 @!p0 $0x80;
	[sflag:s16] =	ssyncadd.s32 @!p0 $0xFFFFFF80  }
0x18: {  	[tilespmem:s17], [sflag:$0x2] =	stream.linear.gather @!p0 [hbm4b:s14+s15], $0x80, $0x38;
	[tilespmem:$0xC100] =	vst v63  }
0x19: {  	_ =	swait.ge @!p0 [sflag:s16], $0x80  }
0x1a: {  	[sflag:s16] =	ssyncset.done @!p0 $0x0  }
0x1b: {  	s14 =	simm.s32 @!p0 $0x100;
	[sflag:s16] =	ssyncadd.s32 @!p0 $0xFFFFFF80  }
0x1c: {  	[tilespmem:s14], [sflag:$0x2] =	stream.indirect.gather @!p0 [hbm4b:s4+s17], $0x40, s15, s17, $0xb8;
	[tilespmem:$0xC100] =	vst v63  }
0x1d: {  	_ =	swait.ge @!p0 [sflag:s16], $0x2000  }
0x1e: {  	[sflag:s16] =	ssyncset.done @!p0 $0x0  }
0x1f: {  	s15 =	sadd.s32 $0x20, s5;
	[sflag:s16] =	ssyncadd.s32 @!p0 $0xFFFFE000  }
0x20: {  	[spmem:s2] =	stream.indirect.scatter.add.f32 @!p0 [tilespmem:s14], [sflag:$0x1], $0x40, s17, s17, $0xb8;
	[tilespmem:$0xC100] =	vst v63  }
0x21: {  	p2 =	sgt.u32 s15, $0x9C3;
	s17 =	simm.s32 @!p0 $0x1  }
0x22: {  	s16 =	simm.s32 $0x400;
	s14 =	simm.s32 $0x200;
	_ =	swait.ge @!p0 [sflag:s17], $0x2000  }
.LBB2_2:
0x23: {  	s18 =	sadd.s32 @!p2 s14, s11  }
0x24: {  	s19 =	simm.s32 @!p2 $0x0;
	[sflag:s17] =	ssyncset.done @!p0 $0x0;
	s20 =	smov.u32 s16  }
0x25: {  	s16 =	sadd.s32 $0x200, s16;
	s21 =	simm.s32 @!p2 $0x2;
	[sflag:s17] =	ssyncadd.s32 @!p0 $0xFFFFE000  }
0x26: {  	[tilespmem:s19], [sflag:$0x2] =	stream.linear.gather @!p2 [hbm4b:s18+s19], $0x80, $0x38;
	[tilespmem:$0xC100] =	vst v63  }
0x27: {  	p1 =	sne.s32 s16, $0x9E00;
	p0 =	por p2, p2;
	_ =	swait.ge @!p2 [sflag:s21], $0x80  }
0x28: {  	[sflag:s21] =	ssyncset.done @!p0 $0x0  }
0x29: {  	s14 =	sadd.s32 @!p0 s14, s10;
	s18 =	simm.s32 @!p0 $0x80;
	[sflag:s21] =	ssyncadd.s32 @!p0 $0xFFFFFF80  }
0x2a: {  	[tilespmem:s18], [sflag:$0x2] =	stream.linear.gather @!p0 [hbm4b:s14+s19], $0x80, $0x38;
	[tilespmem:$0xC100] =	vst v63  }
0x2b: {  	s14 =	smov.u32 s20;
	_ =	swait.ge @!p0 [sflag:s21], $0x80  }
0x2c: {  	[sflag:s21] =	ssyncset.done @!p0 $0x0  }
0x2d: {  	s20 =	simm.s32 @!p0 $0x100;
	[sflag:s21] =	ssyncadd.s32 @!p0 $0xFFFFFF80  }
0x2e: {  	[tilespmem:s20], [sflag:$0x2] =	stream.indirect.gather @!p0 [hbm4b:s4+s18], $0x40, s19, s18, $0xb8;
	[tilespmem:$0xC100] =	vst v63  }
.Ltmp0:
0x2f: {  	_ =	swait.ge @!p0 [sflag:s21], $0x2000;
	(pc) =	sbr.rel @p1 .LBB2_2-.Ltmp0, $4  }
0x30: {  	[sflag:s21] =	ssyncset.done @!p0 $0x0  }
0x31: {  	s15 =	sadd.s32 $0x20, s15;
	s17 =	simm.s32 @!p0 $0x1;
	[sflag:s21] =	ssyncadd.s32 @!p0 $0xFFFFE000  }
0x32: {  	[spmem:s2] =	stream.indirect.scatter.add.f32 @!p0 [tilespmem:s20], [sflag:$0x1], $0x40, s18, s18, $0xb8;
	[tilespmem:$0xC100] =	vst v63  }
0x33: {  	p2 =	sgt.u32 s15, $0x9C3;
	_ =	swait.ge @!p0 [sflag:s17], $0x2000  }
0x34: {  	s15 =	sadd.s32 @!p2 s14, s11;
	[sflag:s17] =	ssyncset.done @!p0 $0x0  }
0x35: {  	s16 =	simm.s32 @!p2 $0x0;
	s18 =	simm.s32 @!p2 $0x2;
	[sflag:s17] =	ssyncadd.s32 @!p0 $0xFFFFE000  }
0x36: {  	[tilespmem:s16], [sflag:$0x2] =	stream.linear.gather @!p2 [hbm4b:s15+s16], $0x80, $0x38;
	[tilespmem:$0xC100] =	vst v63  }
0x37: {  	p0 =	por p2, p2;
	_ =	swait.ge @!p2 [sflag:s18], $0x80  }
0x38: {  	[sflag:s18] =	ssyncset.done @!p0 $0x0  }
0x39: {  	s14 =	sadd.s32 @!p0 s14, s10;
	s15 =	simm.s32 @!p0 $0x80;
	[sflag:s18] =	ssyncadd.s32 @!p0 $0xFFFFFF80  }
0x3a: {  	[tilespmem:s15], [sflag:$0x2] =	stream.linear.gather @!p0 [hbm4b:s14+s16], $0x80, $0x38;
	[tilespmem:$0xC100] =	vst v63  }
0x3b: {  	_ =	swait.ge @!p0 [sflag:s18], $0x80  }
0x3c: {  	[sflag:s18] =	ssyncset.done @!p0 $0x0  }
0x3d: {  	s14 =	simm.s32 @!p0 $0x100;
	[sflag:s18] =	ssyncadd.s32 @!p0 $0xFFFFFF80  }
0x3e: {  	[tilespmem:s14], [sflag:$0x2] =	stream.indirect.gather @!p0 [hbm4b:s4+s15], $0x40, s16, s15, $0xb8;
	[tilespmem:$0xC100] =	vst v63  }
0x3f: {  	_ =	swait.ge @!p0 [sflag:s18], $0x2000  }
0x40: {  	[sflag:s18] =	ssyncset.done @!p0 $0x0  }
0x41: {  	s16 =	simm.s32 @!p0 $0x1;
	[sflag:s18] =	ssyncadd.s32 @!p0 $0xFFFFE000  }
0x42: {  	[spmem:s2] =	stream.indirect.scatter.add.f32 @!p0 [tilespmem:s14], [sflag:$0x1], $0x40, s15, s15, $0xb8;
	[tilespmem:$0xC100] =	vst v63  }
0x43: {  	_ =	swait.ge @!p0 [sflag:s16], $0x2000  }
0x44: {  	s3 =	sadd.s32 $0x1, s3;
	[sflag:s16] =	ssyncset.done @!p0 $0x0  }
0x45: {  	[sflag:s16] =	ssyncadd.s32 @!p0 $0xFFFFE000;
	p0 =	sne.s32 s3, s9  }
.Ltmp1:
0x46: {  	[bflag:$0x0] =	sbarrier.arrive $0xFFFF;
	(pc) =	sbr.rel @p0 .LBB2_1-.Ltmp1, $4  }
0x47: {  	[hbm:s8], [sflag:s7] =	dma.local [spmem:s12], $0x1400  }
0x48: {  	_ =	swait.ge [sflag:s13], $0x1400  }
0x49: {  	[sflag:s13] =	ssyncset.done $0x0  }
0x4a: {  	[sflag:s13] =	ssyncadd.s32 $0xFFFFEC00  }
0x4b: {  	_ =	sfence.sel $0x180000  }
0x4c: {  	[bflag:$0x0] =	sbarrier.arrive $0xFFFF  }
0x4d: {  	p0 =	sne.s32 s1, $0x0;
	_ =	strace $0x9000004D  }
0x4e: {  	s0 =	sadd.s32 @!p0 $0x100000, s0;
	[bflag:$0x2] =	sbarrier.arrive $0xFFFF  }
0x4f: {  	[sflag:s0] =	ssyncadd.tile.s32 @!p0 $0x1;
	_ =	shalt  }
.Lfunc_end2:
_tile_overlayer_lowered:
.L_overlay_start_2:
0x50: {  	(tag) =	ssettag $0x2  }
0x51: {  	s0 =	rddreg [dreg:$0x0];
	s2 =	stileid.u32  }
0x52: {  	s1 =	rddreg [dreg:$0x1];
	p0 =	sne.s32 s2, $0x0  }
0x53: {  	s3 =	rddreg [dreg:$0x2];
	[bflag:$0x3] =	sbarrier.arrive $0xFFFF;
	s2 =	simm.s32 @!p0 $0x1C01  }
0x54: {  	[timem:s3], [sflag:s2] =	dma.local @!p0 [hbm:s0], s1  }
0x55: {  	s0 =	simm.s32 @!p0 $0x1  }
0x56: {  	_ =	swait.ge @!p0 [sflag:s0], s1  }
0x57: {  	s1 =	ssub.s32 @!p0 $0x0, s1;
	[sflag:s0] =	ssyncset.done @!p0 $0x0  }
0x58: {  	[sflag:s0] =	ssyncadd.s32 @!p0 s1  }
0x59: {  	[bflag:$0x3] =	sbarrier.arrive $0xFFFF  }
0x5a: {  	_ =	shalt  }

// kernel: kernel.8.cloned.1.call-start
scs
__scs_entry_jumppad:
0x0: {  	(pc) =	sbr.rel $0x88, $3  }
0x1: {  	(tag) =	ssettag $0x0;
	lr =	simm.s32 $0x1  }
0x2: {  	[smem:$0x3F95] =	sst lr;
	_ =	strace $0xD0000000  }
0x3: {  	_ = 	snop  }
0x4: {  	_ = 	snop  }
0x5: {  	_ = 	snop  }
0x6: {  	_ = 	snop  }
0x7: {  	_ = 	snop  }
__scs_overlays_trampoline_lowered:
0x8: {  	[smem:$0x3FA4] =	sst s0  }
0x9: {  	[smem:$0x3FA5] =	sst s1  }
0xa: {  	[smem:$0x3FA6] =	sst s2  }
0xb: {  	[smem:$0x3FA7] =	sst s3  }
0xc: {  	[smem:$0x3FA8] =	sst s4  }
0xd: {  	[smem:$0x3FA9] =	sst s5  }
0xe: {  	[smem:$0x3FAA] =	sst s6  }
0xf: {  	[smem:$0x3FAB] =	sst s7  }
0x10: {  	[smem:$0x3FAC] =	sst s8  }
0x11: {  	[smem:$0x3FAD] =	sst s9;
	s0 =	simm.s32 @!p0 $0x0  }
0x12: {  	s1 =	sld [smem:$0x3F93];
	s0 =	simm.s32 @p0 $0x1  }
0x13: {  	[smem:$0x3FAE] =	sst s0;
	s0 =	simm.s32 @!p1 $0x0  }
0x14: {  	s2 =	sld [smem:$0x3F92];
	s0 =	simm.s32 @p1 $0x1  }
0x15: {  	[smem:$0x3FAF] =	sst s0;
	s0 =	simm.s32 @!p2 $0x0  }
0x16: {  	s3 =	sld [smem:$0x3FDB];
	s0 =	simm.s32 @p2 $0x1  }
0x17: {  	s4 =	simm.s32 $0x1BF5;
	[smem:$0x3FB1] =	sst s0  }
0x18: {  	s0 =	sld [smem:$0x3F94];
	_ =	swait.ge [sflag:s4], $0x0  }
0x19: {  	s7 =	sld [smem:$0x3F95]  }
0x1a: {  	s8 =	sadd.s32 $0xFFFFE003, lr  }
0x1b: {  	s9 =	sadd.s32 $0xFFFFFEF7, lr;
	s5 =	simm.s32 $0xFFFFFFFF;
	p2 =	slt.u32 s8, $0xFFFFF086  }
0x1c: {  	p1 =	slt.u32 s9, $0xF7A;
	s5 =	simm.s32 @!p2 $0x0  }
0x1d: {  	s5 =	simm.s32 @p1 $0x1;
	p0 =	seq.s32 s7, s2  }
0x1e: {  	s7 =	smul.u32 @!p0 $0xF7A, s2;
	p2 =	seq.s32 @!p0 s5, $0x0  }
0x1f: {  	s9 =	smul.u32 $0xF7A, s1;
	s8 =	simm.s32 @!p0 $0x1BF5;
	p2 =	por !p2, p0  }
0x20: {  	[sflag:s8] =	ssyncset.s32 @!p0 $0xFFFFF086;
	s6 =	sadd.s32 @!p0 s3, s7;
	s7 =	simm.s32 @!p0 $0x108  }
0x21: {  	s3 =	sadd.s32 s3, s9;
	s6 =	sadd.s32 @!p0 $0x88, s6;
	s7 =	simm.s32 @p2 $0x1082  }
0x22: {  	[simem:s7], [sflag:s8] =	dma.local @!p0 [hbm:s6], $0xF7A  }
0x23: {  	s9 =	sor.u32 $0xD0000000, s2;
	s6 =	simm.s32 $0x108;
	_ =	swait.ge @!p0 [sflag:s8], $0x0  }
0x24: {  	s3 =	sadd.s32 $0x88, s3;
	s6 =	simm.s32 @!p1 $0x1082;
	[sflag:s4] =	ssyncset.s32 $0xFFFFF086  }
0x25: {  	[simem:s6], [sflag:s4] =	dma.local [hbm:s3], $0xF7A  }
0x26: {  	[smem:$0x3F95] =	sst s1;
	(tag) =	ssettag s2;
	_ =	strace s9  }
0x27: {  	s1 =	sld [smem:$0x3FA5]  }
0x28: {  	s2 =	sld [smem:$0x3FA6]  }
0x29: {  	s4 =	sld [smem:$0x3FA8]  }
0x2a: {  	p0 =	seq.s32 s5, $0x0;
	s5 =	sld [smem:$0x3FA9]  }
0x2b: {  	s6 =	sld [smem:$0x3FAA]  }
0x2c: {  	s7 =	sld [smem:$0x3FAB]  }
0x2d: {  	s3 =	simm.s32 $0x108;
	s8 =	sld [smem:$0x3FAC]  }
0x2e: {  	s3 =	simm.s32 @!p0 $0x1082;
	s9 =	sld [smem:$0x3FAD]  }
0x2f: {  	lr =	sadd.s32 s0, s3;
	s0 =	sld [smem:$0x3FA4]  }
0x30: {  	s3 =	sld [smem:$0x3FA7]  }
0x31: {  	[smem:$0x3FB0] =	sst s10  }
0x32: {  	s10 =	sld [smem:$0x3FAE];
	_ =	sdelay $0x3  }
0x33: {  	p0 =	seq.s32 s10, $0x1;
	s10 =	sld [smem:$0x3FB0];
	_ =	sdelay $0x3  }
0x34: {  	[smem:$0x3FB0] =	sst s10  }
0x35: {  	s10 =	sld [smem:$0x3FAF];
	_ =	sdelay $0x3  }
0x36: {  	p1 =	seq.s32 s10, $0x1;
	s10 =	sld [smem:$0x3FB0];
	_ =	sdelay $0x3  }
0x37: {  	[smem:$0x3FB0] =	sst s10  }
0x38: {  	s10 =	sld [smem:$0x3FB1]  }
0x39: {  	_ = 	snop;
	(pc) =	sbr.ind lr, $3  }
0x3a: {  	_ = 	snop  }
0x3b: {  	_ = 	snop  }
0x3c: {  	p2 =	seq.s32 s10, $0x1;
	s10 =	sld [smem:$0x3FB0]  }
0x3d: {  	_ =	shalt  }
0x3e: {  	_ =	shalt  }
0x3f: {  	_ =	shalt  }
0x40: {  	_ =	shalt  }
0x41: {  	_ =	shalt  }
0x42: {  	_ =	shalt  }
0x43: {  	_ =	shalt  }
0x44: {  	_ =	shalt  }
0x45: {  	_ =	shalt  }
0x46: {  	_ =	shalt  }
0x47: {  	_ =	shalt  }
0x48: {  	_ =	shalt  }
0x49: {  	_ =	shalt  }
0x4a: {  	_ =	shalt  }
0x4b: {  	_ =	shalt  }
0x4c: {  	_ =	shalt  }
0x4d: {  	_ =	shalt  }
0x4e: {  	_ =	shalt  }
0x4f: {  	_ =	shalt  }
0x50: {  	_ =	shalt  }
0x51: {  	_ =	shalt  }
0x52: {  	_ =	shalt  }
0x53: {  	_ =	shalt  }
0x54: {  	_ =	shalt  }
0x55: {  	_ =	shalt  }
0x56: {  	_ =	shalt  }
0x57: {  	_ =	shalt  }
0x58: {  	_ =	shalt  }
0x59: {  	_ =	shalt  }
0x5a: {  	_ =	shalt  }
0x5b: {  	_ =	shalt  }
0x5c: {  	_ =	shalt  }
0x5d: {  	_ =	shalt  }
0x5e: {  	_ =	shalt  }
0x5f: {  	_ =	shalt  }
0x60: {  	_ =	shalt  }
0x61: {  	_ =	shalt  }
0x62: {  	_ =	shalt  }
0x63: {  	_ =	shalt  }
0x64: {  	_ =	shalt  }
0x65: {  	_ =	shalt  }
0x66: {  	_ =	shalt  }
0x67: {  	_ =	shalt  }
0x68: {  	_ =	shalt  }
0x69: {  	_ =	shalt  }
0x6a: {  	_ =	shalt  }
0x6b: {  	_ =	shalt  }
0x6c: {  	_ =	shalt  }
0x6d: {  	_ =	shalt  }
0x6e: {  	_ =	shalt  }
0x6f: {  	_ =	shalt  }
0x70: {  	_ =	shalt  }
0x71: {  	_ =	shalt  }
0x72: {  	_ =	shalt  }
0x73: {  	_ =	shalt  }
0x74: {  	_ =	shalt  }
0x75: {  	_ =	shalt  }
0x76: {  	_ =	shalt  }
0x77: {  	_ =	shalt  }
0x78: {  	_ =	shalt  }
0x79: {  	_ =	shalt  }
0x7a: {  	_ =	shalt  }
0x7b: {  	_ =	shalt  }
0x7c: {  	_ =	shalt  }
0x7d: {  	_ =	shalt  }
0x7e: {  	_ =	shalt  }
0x7f: {  	_ =	shalt  }
0x80: {  	_ =	shalt  }
0x81: {  	_ =	shalt  }
0x82: {  	_ =	shalt  }
0x83: {  	_ =	shalt  }
0x84: {  	_ =	shalt  }
0x85: {  	_ =	shalt  }
0x86: {  	_ =	shalt  }
0x87: {  	_ =	shalt  }
.Lfunc_end0:
.L_simem_size_0:
called_computation_lowered:
.L_overlay_start_0:
0x88: {  	s2 =	sld [smem:$0x3FD9]  }
0x89: {  	s3 =	sld [smem:$0x3FFE];
	_ =	sdelay $0x1  }
0x8a: {  	s1 =	srdreg.scid  }
0x8b: {  	s0 =	sand.u32 $0x1, s1  }
0x8c: {  	s16 =	sshll.u32 s0, $0xA;
	s2 =	sadd.s32 s3, s2  }
0x8d: {  	s2 =	sadd.s32 s2, s16  }
0x8e: {  	[smem:$0x3FBC] =	sst s2  }
0x8f: {  	_ = 	snop  }
0x90: {  	(tm) =	ssettm $0x1  }
0x91: {  	s17 =	sld [smem:$0x3FFB];
	_ =	sdelay $0x3  }
0x92: {  	_ =	strace s17  }
0x93: {  	s2 =	sld [smem:$0x3FFC];
	_ =	sdelay $0x3  }
0x94: {  	_ =	strace s2  }
0x95: {  	s2 =	sld [smem:$0x3FFD];
	_ =	sdelay $0x3  }
0x96: {  	_ =	strace s2  }
0x97: {  	_ =	strace $0x8FFFFFFF  }
0x98: {  	s18 =	sld [smem:$0x3FDB];
	_ =	sdelay $0x1  }
0x99: {  	s19 =	simm.s32 $_scs_section_size  }
0x9a: {  	s4 =	simm.s32 $_size__tile_overlayer_lowered;
	s5 =	simm.s32 $_tile_overlayer_lowered  }
0x9b: {  	s22 =	simm.s32 $0x1BFF;
	s21 =	sshll.u32 s5, $0x1;
	s2 =	sadd.s32 s19, s18  }
0x9c: {  	s6 =	simm.s32 $0x0;
	s20 =	sshll.u32 s4, $0x1;
	s4 =	sadd.s32 s21, s2  }
0x9d: {  	[timem:s6], [sflag:s22] =	dma.local [hbm:s4], s20  }
0x9e: {  	_ =	swait.ge [sflag:s22], s20  }
0x9f: {  	s3 =	ssub.s32 $0x0, s20;
	[sflag:s22] =	ssyncset.done $0x0  }
0xa0: {  	[sflag:s22] =	ssyncadd.s32 s3;
	_ =	sdelay $0x1  }
0xa1: {  	s23 =	simm.s32 $0x1B8B  }
0xa2: {  	_ =	swait.ge [sflag:s23], $0x1  }
0xa3: {  	[sflag:s23] =	ssyncset.done $0x0  }
0xa4: {  	s25 =	simm.s32 $0x1B8E;
	s24 =	sld [smem:$0x3FFE];
	[sflag:s23] =	ssyncadd.s32 $0xFFFFFFFF  }
0xa5: {  	s26 =	simm.s32 $execute0_lowered;
	[smem:$0x3FD2] =	sst s25  }
0xa6: {  	s4 =	sshll.u32 s26, $0x1;
	_ =	strace $0x80000046;
	[dreg:$0x1] =	wrdreg $0xFFFFFFFF  }
0xa7: {  	s28 =	simm.s32 $_size_execute0_lowered;
	s2 =	sadd.s32 s2, s4;
	[dreg:$0x0] =	wrdreg $0x0  }
0xa8: {  	s4 =	sshll.u32 s28, $0x1;
	[dreg:$0x2] =	wrdreg s2  }
0xa9: {  	[dreg:$0x3] =	wrdreg s4  }
0xaa: {  	[dreg:$0x4] =	wrdreg $0xC0  }
0xab: {  	_ =	task [dreg:s6], $0x5FFFF  }
0xac: {  	[dreg:$0x1] =	wrdreg $0xFFFFFFFF  }
0xad: {  	[dreg:$0x0] =	wrdreg $0x60  }
0xae: {  	[dreg:$0x2] =	wrdreg s24  }
0xaf: {  	[dreg:$0x3] =	wrdreg $0x8800  }
0xb0: {  	[dreg:$0x4] =	wrdreg $0x9  }
0xb1: {  	_ =	task.clear_ibuf [dreg:s6], $0x5FFFF;
	_ =	strace $0x90000046  }
0xb2: {  	s29 =	simm.s32 $0x9;
	_ =	strace $0x80000048  }
0xb3: {  	_ =	swait.ge [sflag:s29], $0x1  }
0xb4: {  	[sflag:s29] =	ssyncadd.s32 $0xFFFFFFFF  }
0xb5: {  	_ =	strace $0x90000048  }
0xb6: {  	_ =	sfence  }
0xb7: {  	s30 =	sld [smem:$0x0];
	_ =	sdelay $0x2  }
0xb8: {  	s31 =	sshll.u32 s1, $0xD;
	s1 =	sshrl.u32 s1, $0x2  }
0xb9: {  	s3 =	sand.u32 $0x4000, s31;
	s1 =	sadd.s32 s1, s30  }
0xba: {  	s0 =	sor.u32 s3, s0;
	s1 =	sshll.u32 s1, $0x11  }
0xbb: {  	s0 =	sor.u32 s1, s0  }
0xbc: {  	s0 =	sadd.s32 $0x8F2B, s0  }
0xbd: {  	[sflag:s0] =	ssyncadd.remote.s32 $0x1  }
0xbe: {  	_ =	sfence.sel $0xFFFF  }
0xbf: {  	[dreg:$0x0] =	wrdreg $0xFFFFFFFF;
	(pc) =	sbr.abs _section_cstart, $3  }
0xc0: {  	[dreg:$0x1] =	wrdreg $0xFFFFFFFF  }
0xc1: {  	_ =	task.clear_ibuf [dreg:s6], $0x2FFFF;
	_ =	strace $0x9FFFFFFF  }
0xc2: {  	(tm) =	ssettm $0x7FFFFFFF  }
0xc3: {  	_ =	shalt  }
tec
execute0_lowered:
.L_overlay_start_1:
0x0: {  	(tag) =	ssettag $0x1  }
0x1: {  	s4 =	rddreg [dreg:$0x0]  }
0x2: {  	s2 =	rddreg [dreg:$0x1]  }
0x3: {  	s0 =	rddreg [dreg:$0x2]  }
0x4: {  	s1 =	stileid.u32;
	s5 =	srdreg.scid;
	s3 =	simm.s32 $0x0  }
0x5: {  	s6 =	smul.u32 $0x2800, s1;
	s7 =	sand.u32 $0x1, s5;
	[smem:$0x7FF] =	sst s3  }
0x6: {  	s8 =	sshll.u32 s1, $0x5;
	s30 =	sshll.u32 s1, $0x6;
	s5 =	smul.u32 $0x28000, s7  }
0x7: {  	_ =	strace $0x80000047;
	s9 =	sadd.s32 s8, s4;
	s28 =	ssub.s32 $0x2, s7  }
0x8: {  	s31 =	sshll.u32 s7, $0x4;
	s10 =	sshrl.u32 s6, $0x3;
	s11 =	sshrl.u32 s28, $0x1  }
0x9: {  	s29 =	sadd.s32 s6, s2;
	s9 =	sadd.s32 s31, s9;
	s5 =	sadd.s32 s6, s5  }
0xa: {  	s10 =	sadd.s32 s10, s4;
	s8 =	ssub.s32 s28, s11;
	s6 =	sor.u32 $0x1C01, s30  }
0xb: {  	s9 =	sadd.s32 $0xC800, s9;
	s11 =	simm.s32 $0x1;
	s5 =	sshrl.u32 s5, $0x3  }
0xc: {  	s8 =	smax.u32 s8, $0x1;
	s12 =	sadd.s32 s5, s4;
	s4 =	sshll.u32 s1, $0x1  }
0xd: {  	v0 =	vimm.f32 $1.000000000e+00;
	s5 =	sadd.s32 $0x16600, s10;
	s10 =	sshrl.u32 s29, $0x3;
	s7 =	sadd.s32 $0x1B600, s12  }
.LBB2_1:
0xe: {  	s12 =	simm.s32 $0x40;
	s13 =	simm.s32 $0x0  }
.LBB2_2:
0xf: {  	p0 =	sne.s32 s12, $0x1FC0;
	[tilespmem:s13+$0x80] =	vst v0;
	s13 =	smov.u32 s12;
	s12 =	sadd.s32 $0x40, s12  }
.Ltmp0:
0x10: {  	(pc) =	sbr.rel @p0 .LBB2_2-.Ltmp0, $2  }
0x11: {  	_ =	sdelay $0x2  }
0x12: {  	s13 =	sshra.s32 s13, $0x2  }
0x13: {  	[tilespmem:s13+$0x80] =	vst v0  }
0x14: {  	[spmem:s10], [sflag:s6] =	dma.local [hbm:s5], $0x500  }
0x15: {  	_ =	swait.ge [sflag:s11], $0x500  }
0x16: {  	s12 =	sadd.s32 $0x0, s4;
	[sflag:s11] =	ssyncset.done $0x0  }
0x17: {  	p0 =	sgt.u32 s12, $0x9C3;
	[sflag:s11] =	ssyncadd.s32 $0xFFFFFB00  }
0x18: {  	s13 =	simm.s32 @!p0 $0x0;
	s14 =	simm.s32 @!p0 $0x2;
	[bflag:$0x0] =	sbarrier.arrive $0xFFFF  }
0x19: {  	[tilespmem:s13], [sflag:$0x2] =	stream.linear.gather @!p0 [hbm4b:s9+s13], $0x80, $0x38;
	[tilespmem:$0x3080] =	vst v63  }
0x1a: {  	_ =	swait.ge @!p0 [sflag:s14], $0x80  }
0x1b: {  	s31 =	sadd.s32 $0x20, s4;
	[sflag:s14] =	ssyncset.done @!p0 $0x0  }
0x1c: {  	s15 =	simm.s32 @!p0 $0x80;
	[sflag:s14] =	ssyncadd.s32 @!p0 $0xFFFFFF80;
	s14 =	simm.s32 @!p0 $0x1  }
0x1d: {  	[spmem:s2] =	stream.indirect.scatter.add.f32 @!p0 [tilespmem:s15], [sflag:$0x1], $0x10, s13, s15, $0xb8;
	[tilespmem:$0x3080] =	vst v63  }
0x1e: {  	s12 =	simm.s32 $0x40;
	p1 =	por p0, p0;
	_ =	swait.ge @!p0 [sflag:s14], $0x800  }
0x1f: {  	s13 =	sadd.s32 $0x200, s9;
	p0 =	sgt.u32 s31, $0x9C3;
	[sflag:s14] =	ssyncset.done @!p1 $0x0  }
.LBB2_4:
0x20: {  	s15 =	simm.s32 @!p0 $0x0;
	s16 =	simm.s32 @!p0 $0x2  }
0x21: {  	[sflag:s14] =	ssyncadd.s32 @!p1 $0xFFFFF800;
	s17 =	smov.u32 s12;
	s12 =	sadd.s32 $0x20, s12  }
0x22: {  	[tilespmem:s15], [sflag:$0x2] =	stream.linear.gather @!p0 [hbm4b:s13+s15], $0x80, $0x38;
	[tilespmem:$0x3080] =	vst v63  }
0x23: {  	p2 =	sne.s32 s12, $0x9E0;
	_ =	swait.ge @!p0 [sflag:s16], $0x80  }
.Ltmp1:
0x24: {  	[sflag:s16] =	ssyncset.done @!p0 $0x0;
	(pc) =	sbr.rel @p2 .LBB2_4-.Ltmp1, $4  }
0x25: {  	s14 =	simm.s32 @!p0 $0x1;
	[sflag:s16] =	ssyncadd.s32 @!p0 $0xFFFFFF80;
	s16 =	simm.s32 @!p0 $0x80  }
0x26: {  	[spmem:s2] =	stream.indirect.scatter.add.f32 @!p0 [tilespmem:s16], [sflag:$0x1], $0x10, s15, s16, $0xb8;
	[tilespmem:$0x3080] =	vst v63  }
0x27: {  	p1 =	por p0, p0;
	s15 =	sadd.s32 s17, s4;
	_ =	swait.ge @!p0 [sflag:s14], $0x800  }
0x28: {  	s13 =	sadd.s32 $0x200, s13;
	p0 =	sgt.u32 s15, $0x9C3;
	[sflag:s14] =	ssyncset.done @!p1 $0x0  }
0x29: {  	s12 =	simm.s32 @!p0 $0x0;
	s15 =	simm.s32 @!p0 $0x2;
	[sflag:s14] =	ssyncadd.s32 @!p1 $0xFFFFF800  }
0x2a: {  	[tilespmem:s12], [sflag:$0x2] =	stream.linear.gather @!p0 [hbm4b:s13+s12], $0x80, $0x38;
	[tilespmem:$0x3080] =	vst v63  }
0x2b: {  	_ =	swait.ge @!p0 [sflag:s15], $0x80  }
0x2c: {  	[sflag:s15] =	ssyncset.done @!p0 $0x0  }
0x2d: {  	s14 =	simm.s32 @!p0 $0x1;
	s13 =	simm.s32 @!p0 $0x80;
	[sflag:s15] =	ssyncadd.s32 @!p0 $0xFFFFFF80  }
0x2e: {  	[spmem:s2] =	stream.indirect.scatter.add.f32 @!p0 [tilespmem:s13], [sflag:$0x1], $0x10, s12, s13, $0xb8;
	[tilespmem:$0x3080] =	vst v63  }
0x2f: {  	_ =	swait.ge @!p0 [sflag:s14], $0x800;
	p0 =	por p0, p0  }
0x30: {  	s3 =	sadd.s32 $0x1, s3;
	[sflag:s14] =	ssyncset.done @!p0 $0x0  }
0x31: {  	[sflag:s14] =	ssyncadd.s32 @!p0 $0xFFFFF800;
	p0 =	sne.s32 s3, s8  }
.Ltmp2:
0x32: {  	[bflag:$0x0] =	sbarrier.arrive $0xFFFF;
	(pc) =	sbr.rel @p0 .LBB2_1-.Ltmp2, $4  }
0x33: {  	[hbm:s7], [sflag:s6] =	dma.local [spmem:s10], $0x500  }
0x34: {  	_ =	swait.ge [sflag:s11], $0x500  }
0x35: {  	[sflag:s11] =	ssyncset.done $0x0  }
0x36: {  	[sflag:s11] =	ssyncadd.s32 $0xFFFFFB00  }
0x37: {  	_ =	sfence.sel $0x180000  }
0x38: {  	[bflag:$0x0] =	sbarrier.arrive $0xFFFF  }
0x39: {  	p0 =	sne.s32 s1, $0x0;
	_ =	strace $0x90000047  }
0x3a: {  	s0 =	sadd.s32 @!p0 $0x100000, s0;
	[bflag:$0x2] =	sbarrier.arrive $0xFFFF  }
0x3b: {  	[sflag:s0] =	ssyncadd.tile.s32 @!p0 $0x1;
	_ =	shalt  }
.Lfunc_end2:
_tile_overlayer_lowered:
.L_overlay_start_2:
0x3c: {  	(tag) =	ssettag $0x2  }
0x3d: {  	s0 =	rddreg [dreg:$0x0];
	s2 =	stileid.u32  }
0x3e: {  	s1 =	rddreg [dreg:$0x1];
	p0 =	sne.s32 s2, $0x0  }
0x3f: {  	s3 =	rddreg [dreg:$0x2];
	[bflag:$0x3] =	sbarrier.arrive $0xFFFF;
	s2 =	simm.s32 @!p0 $0x1C01  }
0x40: {  	[timem:s3], [sflag:s2] =	dma.local @!p0 [hbm:s0], s1  }
0x41: {  	s0 =	simm.s32 @!p0 $0x1  }
0x42: {  	_ =	swait.ge @!p0 [sflag:s0], s1  }
0x43: {  	s1 =	ssub.s32 @!p0 $0x0, s1;
	[sflag:s0] =	ssyncset.done @!p0 $0x0  }
0x44: {  	[sflag:s0] =	ssyncadd.s32 @!p0 s1  }
0x45: {  	[bflag:$0x3] =	sbarrier.arrive $0xFFFF  }
0x46: {  	_ =	shalt  }

</sc_bundles>
